<compile_context>
chip_gen: v7x
topology: tpu7x:2x2x1
jax: 0.10.2.dev20260603
libtpu: 0.0.44.dev20260713+nightly
codegen_flags: <defaults>
</compile_context>

<pallas_src>
import functools

import jax
import jax.numpy as jnp
from jax import lax
from jax.experimental import pallas as pl
from jax.experimental.pallas import tpu as pltpu
from jax.experimental.pallas import tpu_sc as plsc

N_NODES = 10000
D = 128
NC = 2
NS = 16
NW = NC * NS
CH = 128
OCH = 80
NCH = N_NODES // OCH


def _sc_segment_sum(x, edges, zeros, ncw, rem):
    mesh = plsc.VectorSubcoreMesh(core_axis_name="c", subcore_axis_name="s")
    assert ncw % 3 == 0 and ncw >= 6 and rem < NW

    @functools.partial(
        pl.kernel,
        out_type=jax.ShapeDtypeStruct((NC * N_NODES, D), jnp.float32),
        mesh=mesh,
        scratch_types=[
            pltpu.VMEM_SHARED((N_NODES, D), jnp.float32),
            pltpu.VMEM((6, CH), jnp.int32),
            pltpu.VMEM((3, CH, D), jnp.float32),
            pltpu.SemaphoreType.DMA,
            pltpu.SemaphoreType.DMA,
            pltpu.SemaphoreType.DMA,
            pltpu.SemaphoreType.DMA,
            pltpu.SemaphoreType.DMA,
            pltpu.SemaphoreType.DMA,
            pltpu.SemaphoreType.DMA,
        ],
    )
    def seg_sum(x_hbm, e_hbm, z_hbm, out_hbm, acc, ring, bufs,
                g0, g1, g2, i0, i1, i2, zs):
        gs = (g0, g1, g2)
        iss = (i0, i1, i2)
        c = lax.axis_index("c")
        s = lax.axis_index("s")
        wid = s * NC + c
        base = wid * ncw

        def chunk_off(j):
            return pl.multiple_of((base + lax.rem(j, ncw)) * CH, CH)

        def start_idx(j, q):
            off = chunk_off(j)
            pltpu.async_copy(e_hbm.at[0, pl.ds(off, CH)], ring.at[q], iss[q])
            pltpu.async_copy(e_hbm.at[1, pl.ds(off, CH)], ring.at[3 + q], iss[q])

        def wait_idx(q):
            pltpu.make_async_copy(e_hbm.at[0, pl.ds(0, CH)], ring.at[q],
                                  iss[q]).wait()
            pltpu.make_async_copy(e_hbm.at[1, pl.ds(0, CH)], ring.at[3 + q],
                                  iss[q]).wait()

        def start_gather(t):
            pltpu.async_copy(x_hbm.at[ring.at[t]], bufs.at[t], gs[t])

        def wait_gather(t):
            pltpu.make_async_copy(x_hbm.at[ring.at[t]], bufs.at[t], gs[t]).wait()

        pltpu.sync_copy(z_hbm, bufs.at[2].at[pl.ds(0, OCH)])
        for k0 in range(-(-NCH // NS)):
            k = k0 * NS + s
            @pl.when(k < NCH)
            def _():
                pltpu.async_copy(bufs.at[2].at[pl.ds(0, OCH)],
                                 acc.at[pl.ds(k * OCH, OCH)], zs)
        start_idx(0, 0)
        start_idx(1, 1)
        start_idx(2, 2)
        wait_idx(0)
        start_gather(0)
        wait_idx(1)
        start_gather(1)
        for k0 in range(-(-NCH // NS)):
            k = k0 * NS + s
            @pl.when(k < NCH)
            def _():
                pltpu.make_async_copy(bufs.at[2].at[pl.ds(0, OCH)],
                                      acc.at[pl.ds(k * OCH, OCH)], zs).wait()
        plsc.subcore_barrier()

        def slot(j, t):
            wait_gather(t)
            pltpu.sync_copy(bufs.at[t], acc.at[ring.at[3 + t]], add=True)
            start_idx(j + 3, t)
            wait_idx((t + 2) % 3)
            start_gather((t + 2) % 3)

        def round_body(r, carry):
            j = 3 * r
            slot(j, 0)
            slot(j + 1, 1)
            slot(j + 2, 2)
            return carry

        lax.fori_loop(0, ncw // 3, round_body, 0)
        wait_gather(0)
        wait_gather(1)
        wait_idx(2)

        if rem:
            @pl.when(wid < rem)
            def _():
                off = pl.multiple_of((NW * ncw + wid) * CH, CH)
                pltpu.sync_copy(e_hbm.at[0, pl.ds(off, CH)], ring.at[0])
                pltpu.sync_copy(e_hbm.at[1, pl.ds(off, CH)], ring.at[3])
                start_gather(0)
                wait_gather(0)
                pltpu.sync_copy(bufs.at[0], acc.at[ring.at[3]], add=True)
        plsc.subcore_barrier()

        for k0 in range(-(-NCH // NS)):
            k = k0 * NS + s
            @pl.when(k < NCH)
            def _():
                pltpu.async_copy(acc.at[pl.ds(k * OCH, OCH)],
                                 out_hbm.at[pl.ds(c * N_NODES + k * OCH, OCH)], zs)
        for k0 in range(-(-NCH // NS)):
            k = k0 * NS + s
            @pl.when(k < NCH)
            def _():
                pltpu.make_async_copy(acc.at[pl.ds(k * OCH, OCH)],
                                      out_hbm.at[pl.ds(c * N_NODES + k * OCH, OCH)],
                                      zs).wait()

    return seg_sum(x, edges, zeros)


def _tc_body(x_ref, p0_ref, p1_ref, w_ref, b_ref, out_ref):
    dn = (((1,), (1,)), ((), ()))
    m = p0_ref[...] + p1_ref[...]
    a = lax.dot_general(x_ref[...], w_ref[:, 0:D], dn,
                        preferred_element_type=jnp.float32)
    a = a + lax.dot_general(m, w_ref[:, D:2 * D], dn,
                            preferred_element_type=jnp.float32)
    out_ref[...] = jnp.maximum(a + b_ref[...], 0.0)


def kernel(x, edge_index, W, b):
    n, d = x.shape
    e = edge_index.shape[1]
    assert n == N_NODES and d == D
    assert e % CH == 0

    nchk = e // CH
    ncw = nchk // NW - (nchk // NW) % 3
    rem = nchk - NW * ncw
    edges = edge_index.astype(jnp.int32)
    zeros = jnp.zeros((OCH, D), jnp.float32)

    partials = _sc_segment_sum(x, edges, zeros, ncw, rem)

    b2 = b.reshape(1, D)
    br = 2000
    nb = N_NODES // br
    out = pl.pallas_call(
        _tc_body,
        grid=(nb,),
        in_specs=[
            pl.BlockSpec((br, D), lambda i: (i, 0)),
            pl.BlockSpec((br, D), lambda i: (i, 0)),
            pl.BlockSpec((br, D), lambda i: (i + nb, 0)),
            pl.BlockSpec((D, 2 * D), lambda i: (0, 0)),
            pl.BlockSpec((1, D), lambda i: (0, 0)),
        ],
        out_specs=pl.BlockSpec((br, D), lambda i: (i, 0)),
        out_shape=jax.ShapeDtypeStruct((N_NODES, D), jnp.float32),
    )(x, partials, partials, W, b2)
    return out

# --- scband reference (transcript-rebuilt; emitter-appended) ---
"""Pipeline reference for scband-gcn-23682449670940 (READ-ONLY COPY).

The authoritative reference and input builder live on the scoring server;
editing this copy changes nothing except your own understanding.
"""

import jax, jax.numpy as jnp
import numpy as np

N_NODES = 10000
N_EDGES = 320000
D_FEAT = 128


def setup_inputs(seed: int = 0) -> dict:
    key = jax.random.key(seed)
    k1, k2, k3, k4 = jax.random.split(key, 4)
    x = jax.random.normal(k1, (N_NODES, D_FEAT), dtype=jnp.float32)
    edge_index = jax.random.randint(k2, (2, N_EDGES), 0, N_NODES)
    # Linear(2*in_feats, out_feats): weight [out, 2*in], bias [out]
    W = jax.random.normal(k3, (D_FEAT, 2 * D_FEAT), dtype=jnp.float32) * 0.05
    b = jax.random.normal(k4, (D_FEAT,), dtype=jnp.float32) * 0.05
    return {"x": x, "edge_index": edge_index, "W": W, "b": b}


def reference(x, edge_index, W, b):
    # message: m_e = h[src_e]; reduce: m_v = sum over incoming edges
    src = edge_index[0]
    dst = edge_index[1]
    msgs = jnp.take(x, src, axis=0)  # gather [E, D]
    m = jax.ops.segment_sum(msgs, dst, num_segments=x.shape[0])  # scatter-add [N, D]
    # apply: h' = ReLU(Linear(cat([h, m])))
    h = jnp.concatenate([x, m], axis=1)  # [N, 2D]
    out = jax.nn.relu(h @ W.T + b)
    return out

if __name__ == "__main__":
    import jax
    _d = setup_inputs()
    print(jax.jit(kernel)(*tuple(_d.values())))

</pallas_src>

<mosaic_0001>
#map = affine_map<(d0, d1) -> (0, 0)>
module attributes {stable_mosaic.version = 14 : i64} {
  func.func @seg_sum(%arg0: i32, %arg1: i32, %arg2: memref<10000x128xf32, #tpu.memory_space<hbm>>, %arg3: memref<2x320000xi32, #tpu.memory_space<hbm>>, %arg4: memref<80x128xf32, #tpu.memory_space<hbm>>, %arg5: memref<20000x128xf32, #tpu.memory_space<hbm>>, %arg6: memref<10000x128xf32, #tpu.memory_space<vmem_shared>>, %arg7: memref<6x128xi32, #tpu.memory_space<vmem>>, %arg8: memref<3x128x128xf32, #tpu.memory_space<vmem>>, %arg9: memref<!tpu.dma_semaphore, #tpu.memory_space<semaphore_mem>>, %arg10: memref<!tpu.dma_semaphore, #tpu.memory_space<semaphore_mem>>, %arg11: memref<!tpu.dma_semaphore, #tpu.memory_space<semaphore_mem>>, %arg12: memref<!tpu.dma_semaphore, #tpu.memory_space<semaphore_mem>>, %arg13: memref<!tpu.dma_semaphore, #tpu.memory_space<semaphore_mem>>, %arg14: memref<!tpu.dma_semaphore, #tpu.memory_space<semaphore_mem>>, %arg15: memref<!tpu.dma_semaphore, #tpu.memory_space<semaphore_mem>>) attributes {dimension_semantics = [#tpu.dimension_semantics<core_parallel>, #tpu.dimension_semantics<subcore_parallel>], iteration_bounds = array<i64: 2, 16>, scalar_prefetch = 0 : i64, scratch_operands = 10 : i64, tpu.core_type = #tpu.core_type<sc_vector_subcore>, window_params = [{transform_indices = #map}, {transform_indices = #map}, {transform_indices = #map}, {transform_indices = #map}]} {
    %mul3A = arith.constant 2 : i32
    %mul3A_0 = arith.muli %arg1, %mul3A : i32
    %add3A = arith.addi %mul3A_0, %arg0 : i32
    %mul3A_1 = arith.constant 78 : i32
    %mul3A_2 = arith.muli %add3A, %mul3A_1 : i32
    %run_scoped3A = arith.constant 2 : i32
    "tpu.region"() ({
      %run_scoped3A_456 = tpu.sem_alloc : memref<!tpu.dma_semaphore, #tpu.memory_space<semaphore_mem>>
      %dma_start3A_457 = arith.constant 0 : i32
      %dma_start3A_458 = arith.constant 0 : i32
      %dma_start3A_459 = tpu.memref_slice %arg8[%run_scoped3A, %dma_start3A_457, %dma_start3A_458] : memref<3x128x128xf32, #tpu.memory_space<vmem>> -> memref<1x128x128xf32, #tpu.memory_space<vmem>>
      %dma_start3A_460 = tpu.memref_squeeze %dma_start3A_459 : memref<1x128x128xf32, #tpu.memory_space<vmem>> -> memref<128x128xf32, #tpu.memory_space<vmem>>
      %dma_start3A_461 = arith.constant 0 : i32
      %dma_start3A_462 = arith.constant 0 : i32
      %dma_start3A_463 = tpu.memref_slice %dma_start3A_460[%dma_start3A_461, %dma_start3A_462] : memref<128x128xf32, #tpu.memory_space<vmem>> -> memref<80x128xf32, #tpu.memory_space<vmem>>
      %dma_start3A_464 = arith.constant 0 : i32
      %dma_start3A_465 = arith.constant 0 : i32
      %dma_start3A_466 = tpu.memref_slice %arg8[%run_scoped3A, %dma_start3A_464, %dma_start3A_465] : memref<3x128x128xf32, #tpu.memory_space<vmem>> -> memref<1x128x128xf32, #tpu.memory_space<vmem>>
      %dma_start3A_467 = tpu.memref_squeeze %dma_start3A_466 : memref<1x128x128xf32, #tpu.memory_space<vmem>> -> memref<128x128xf32, #tpu.memory_space<vmem>>
      %dma_start3A_468 = arith.constant 0 : i32
      %dma_start3A_469 = arith.constant 0 : i32
      %dma_start3A_470 = tpu.memref_slice %dma_start3A_467[%dma_start3A_468, %dma_start3A_469] : memref<128x128xf32, #tpu.memory_space<vmem>> -> memref<80x128xf32, #tpu.memory_space<vmem>>
      tpu.enqueue_dma source(%arg4 : memref<80x128xf32, #tpu.memory_space<hbm>>) target(%dma_start3A_470 : memref<80x128xf32, #tpu.memory_space<vmem>>) target_semaphore(%run_scoped3A_456 : memref<!tpu.dma_semaphore, #tpu.memory_space<semaphore_mem>>)
      %dma_wait3A_471 = arith.constant 0 : i32
      %dma_wait3A_472 = arith.constant 0 : i32
      %dma_wait3A_473 = tpu.memref_slice %arg8[%run_scoped3A, %dma_wait3A_471, %dma_wait3A_472] : memref<3x128x128xf32, #tpu.memory_space<vmem>> -> memref<1x128x128xf32, #tpu.memory_space<vmem>>
      %dma_wait3A_474 = tpu.memref_squeeze %dma_wait3A_473 : memref<1x128x128xf32, #tpu.memory_space<vmem>> -> memref<128x128xf32, #tpu.memory_space<vmem>>
      %dma_wait3A_475 = arith.constant 0 : i32
      %dma_wait3A_476 = arith.constant 0 : i32
      %dma_wait3A_477 = tpu.memref_slice %dma_wait3A_474[%dma_wait3A_475, %dma_wait3A_476] : memref<128x128xf32, #tpu.memory_space<vmem>> -> memref<80x128xf32, #tpu.memory_space<vmem>>
      %dma_wait3A_478 = arith.constant 0 : i32
      %dma_wait3A_479 = arith.constant 0 : i32
      %dma_wait3A_480 = tpu.memref_slice %arg8[%run_scoped3A, %dma_wait3A_478, %dma_wait3A_479] : memref<3x128x128xf32, #tpu.memory_space<vmem>> -> memref<1x128x128xf32, #tpu.memory_space<vmem>>
      %dma_wait3A_481 = tpu.memref_squeeze %dma_wait3A_480 : memref<1x128x128xf32, #tpu.memory_space<vmem>> -> memref<128x128xf32, #tpu.memory_space<vmem>>
      %dma_wait3A_482 = arith.constant 0 : i32
      %dma_wait3A_483 = arith.constant 0 : i32
      %dma_wait3A_484 = tpu.memref_slice %dma_wait3A_481[%dma_wait3A_482, %dma_wait3A_483] : memref<128x128xf32, #tpu.memory_space<vmem>> -> memref<80x128xf32, #tpu.memory_space<vmem>>
      tpu.wait_dma2 semaphore(%run_scoped3A_456 : memref<!tpu.dma_semaphore, #tpu.memory_space<semaphore_mem>>) src(%arg4 : memref<80x128xf32, #tpu.memory_space<hbm>>) dst(%dma_wait3A_484 : memref<80x128xf32, #tpu.memory_space<vmem>>)
      tpu.yield
    }) : () -> ()
    %add3A_3 = arith.constant 0 : i32
    %add3A_4 = arith.addi %add3A_3, %arg1 : i32
    %lt3A = arith.constant 125 : i32
    %lt3A_5 = arith.cmpi slt, %add3A_4, %lt3A : i32
    %convert_element_type3A = arith.extui %lt3A_5 : i1 to i32
    %cond3A = arith.constant 0 : i32
    %cond3A_6 = arith.cmpi ne, %convert_element_type3A, %cond3A : i32
    scf.if %cond3A_6 {
      %mul3A_456 = arith.constant 80 : i32
      %mul3A_457 = arith.muli %add3A_4, %mul3A_456 : i32
      %dma_start3A_458 = arith.constant 2 : i32
      %dma_start3A_459 = arith.constant 0 : i32
      %dma_start3A_460 = arith.constant 0 : i32
      %dma_start3A_461 = tpu.memref_slice %arg8[%dma_start3A_458, %dma_start3A_459, %dma_start3A_460] : memref<3x128x128xf32, #tpu.memory_space<vmem>> -> memref<1x128x128xf32, #tpu.memory_space<vmem>>
      %dma_start3A_462 = tpu.memref_squeeze %dma_start3A_461 : memref<1x128x128xf32, #tpu.memory_space<vmem>> -> memref<128x128xf32, #tpu.memory_space<vmem>>
      %dma_start3A_463 = arith.constant 0 : i32
      %dma_start3A_464 = arith.constant 0 : i32
      %dma_start3A_465 = tpu.memref_slice %dma_start3A_462[%dma_start3A_463, %dma_start3A_464] : memref<128x128xf32, #tpu.memory_space<vmem>> -> memref<80x128xf32, #tpu.memory_space<vmem>>
      %dma_start3A_466 = arith.constant 0 : i32
      %dma_start3A_467 = tpu.memref_slice %arg6[%mul3A_457, %dma_start3A_466] : memref<10000x128xf32, #tpu.memory_space<vmem_shared>> -> memref<80x128xf32, #tpu.memory_space<vmem_shared>>
      %dma_start3A_468 = arith.constant 0 : i32
      %dma_start3A_469 = tpu.memref_slice %arg6[%mul3A_457, %dma_start3A_468] : memref<10000x128xf32, #tpu.memory_space<vmem_shared>> -> memref<80x128xf32, #tpu.memory_space<vmem_shared>>
      %dma_start3A_470 = arith.constant 0 : i32
      %dma_start3A_471 = arith.constant 0 : i32
      %dma_start3A_472 = tpu.memref_slice %arg8[%dma_start3A_458, %dma_start3A_470, %dma_start3A_471] : memref<3x128x128xf32, #tpu.memory_space<vmem>> -> memref<1x128x128xf32, #tpu.memory_space<vmem>>
      %dma_start3A_473 = tpu.memref_squeeze %dma_start3A_472 : memref<1x128x128xf32, #tpu.memory_space<vmem>> -> memref<128x128xf32, #tpu.memory_space<vmem>>
      %dma_start3A_474 = arith.constant 0 : i32
      %dma_start3A_475 = arith.constant 0 : i32
      %dma_start3A_476 = tpu.memref_slice %dma_start3A_473[%dma_start3A_474, %dma_start3A_475] : memref<128x128xf32, #tpu.memory_space<vmem>> -> memref<80x128xf32, #tpu.memory_space<vmem>>
      tpu.enqueue_dma source(%dma_start3A_476 : memref<80x128xf32, #tpu.memory_space<vmem>>) target(%dma_start3A_469 : memref<80x128xf32, #tpu.memory_space<vmem_shared>>) target_semaphore(%arg15 : memref<!tpu.dma_semaphore, #tpu.memory_space<semaphore_mem>>)
    } else {
    }
    %add3A_7 = arith.constant 16 : i32
    %add3A_8 = arith.addi %add3A_7, %arg1 : i32
    %lt3A_9 = arith.constant 125 : i32
    %lt3A_10 = arith.cmpi slt, %add3A_8, %lt3A_9 : i32
    %convert_element_type3A_11 = arith.extui %lt3A_10 : i1 to i32
    %cond3A_12 = arith.constant 0 : i32
    %cond3A_13 = arith.cmpi ne, %convert_element_type3A_11, %cond3A_12 : i32
    scf.if %cond3A_13 {
      %mul3A_456 = arith.constant 80 : i32
      %mul3A_457 = arith.muli %add3A_8, %mul3A_456 : i32
      %dma_start3A_458 = arith.constant 2 : i32
      %dma_start3A_459 = arith.constant 0 : i32
      %dma_start3A_460 = arith.constant 0 : i32
      %dma_start3A_461 = tpu.memref_slice %arg8[%dma_start3A_458, %dma_start3A_459, %dma_start3A_460] : memref<3x128x128xf32, #tpu.memory_space<vmem>> -> memref<1x128x128xf32, #tpu.memory_space<vmem>>
      %dma_start3A_462 = tpu.memref_squeeze %dma_start3A_461 : memref<1x128x128xf32, #tpu.memory_space<vmem>> -> memref<128x128xf32, #tpu.memory_space<vmem>>
      %dma_start3A_463 = arith.constant 0 : i32
      %dma_start3A_464 = arith.constant 0 : i32
      %dma_start3A_465 = tpu.memref_slice %dma_start3A_462[%dma_start3A_463, %dma_start3A_464] : memref<128x128xf32, #tpu.memory_space<vmem>> -> memref<80x128xf32, #tpu.memory_space<vmem>>
      %dma_start3A_466 = arith.constant 0 : i32
      %dma_start3A_467 = tpu.memref_slice %arg6[%mul3A_457, %dma_start3A_466] : memref<10000x128xf32, #tpu.memory_space<vmem_shared>> -> memref<80x128xf32, #tpu.memory_space<vmem_shared>>
      %dma_start3A_468 = arith.constant 0 : i32
      %dma_start3A_469 = tpu.memref_slice %arg6[%mul3A_457, %dma_start3A_468] : memref<10000x128xf32, #tpu.memory_space<vmem_shared>> -> memref<80x128xf32, #tpu.memory_space<vmem_shared>>
      %dma_start3A_470 = arith.constant 0 : i32
      %dma_start3A_471 = arith.constant 0 : i32
      %dma_start3A_472 = tpu.memref_slice %arg8[%dma_start3A_458, %dma_start3A_470, %dma_start3A_471] : memref<3x128x128xf32, #tpu.memory_space<vmem>> -> memref<1x128x128xf32, #tpu.memory_space<vmem>>
      %dma_start3A_473 = tpu.memref_squeeze %dma_start3A_472 : memref<1x128x128xf32, #tpu.memory_space<vmem>> -> memref<128x128xf32, #tpu.memory_space<vmem>>
      %dma_start3A_474 = arith.constant 0 : i32
      %dma_start3A_475 = arith.constant 0 : i32
      %dma_start3A_476 = tpu.memref_slice %dma_start3A_473[%dma_start3A_474, %dma_start3A_475] : memref<128x128xf32, #tpu.memory_space<vmem>> -> memref<80x128xf32, #tpu.memory_space<vmem>>
      tpu.enqueue_dma source(%dma_start3A_476 : memref<80x128xf32, #tpu.memory_space<vmem>>) target(%dma_start3A_469 : memref<80x128xf32, #tpu.memory_space<vmem_shared>>) target_semaphore(%arg15 : memref<!tpu.dma_semaphore, #tpu.memory_space<semaphore_mem>>)
    } else {
    }
    %add3A_14 = arith.constant 32 : i32
    %add3A_15 = arith.addi %add3A_14, %arg1 : i32
    %lt3A_16 = arith.constant 125 : i32
    %lt3A_17 = arith.cmpi slt, %add3A_15, %lt3A_16 : i32
    %convert_element_type3A_18 = arith.extui %lt3A_17 : i1 to i32
    %cond3A_19 = arith.constant 0 : i32
    %cond3A_20 = arith.cmpi ne, %convert_element_type3A_18, %cond3A_19 : i32
    scf.if %cond3A_20 {
      %mul3A_456 = arith.constant 80 : i32
      %mul3A_457 = arith.muli %add3A_15, %mul3A_456 : i32
      %dma_start3A_458 = arith.constant 2 : i32
      %dma_start3A_459 = arith.constant 0 : i32
      %dma_start3A_460 = arith.constant 0 : i32
      %dma_start3A_461 = tpu.memref_slice %arg8[%dma_start3A_458, %dma_start3A_459, %dma_start3A_460] : memref<3x128x128xf32, #tpu.memory_space<vmem>> -> memref<1x128x128xf32, #tpu.memory_space<vmem>>
      %dma_start3A_462 = tpu.memref_squeeze %dma_start3A_461 : memref<1x128x128xf32, #tpu.memory_space<vmem>> -> memref<128x128xf32, #tpu.memory_space<vmem>>
      %dma_start3A_463 = arith.constant 0 : i32
      %dma_start3A_464 = arith.constant 0 : i32
      %dma_start3A_465 = tpu.memref_slice %dma_start3A_462[%dma_start3A_463, %dma_start3A_464] : memref<128x128xf32, #tpu.memory_space<vmem>> -> memref<80x128xf32, #tpu.memory_space<vmem>>
      %dma_start3A_466 = arith.constant 0 : i32
      %dma_start3A_467 = tpu.memref_slice %arg6[%mul3A_457, %dma_start3A_466] : memref<10000x128xf32, #tpu.memory_space<vmem_shared>> -> memref<80x128xf32, #tpu.memory_space<vmem_shared>>
      %dma_start3A_468 = arith.constant 0 : i32
      %dma_start3A_469 = tpu.memref_slice %arg6[%mul3A_457, %dma_start3A_468] : memref<10000x128xf32, #tpu.memory_space<vmem_shared>> -> memref<80x128xf32, #tpu.memory_space<vmem_shared>>
      %dma_start3A_470 = arith.constant 0 : i32
      %dma_start3A_471 = arith.constant 0 : i32
      %dma_start3A_472 = tpu.memref_slice %arg8[%dma_start3A_458, %dma_start3A_470, %dma_start3A_471] : memref<3x128x128xf32, #tpu.memory_space<vmem>> -> memref<1x128x128xf32, #tpu.memory_space<vmem>>
      %dma_start3A_473 = tpu.memref_squeeze %dma_start3A_472 : memref<1x128x128xf32, #tpu.memory_space<vmem>> -> memref<128x128xf32, #tpu.memory_space<vmem>>
      %dma_start3A_474 = arith.constant 0 : i32
      %dma_start3A_475 = arith.constant 0 : i32
      %dma_start3A_476 = tpu.memref_slice %dma_start3A_473[%dma_start3A_474, %dma_start3A_475] : memref<128x128xf32, #tpu.memory_space<vmem>> -> memref<80x128xf32, #tpu.memory_space<vmem>>
      tpu.enqueue_dma source(%dma_start3A_476 : memref<80x128xf32, #tpu.memory_space<vmem>>) target(%dma_start3A_469 : memref<80x128xf32, #tpu.memory_space<vmem_shared>>) target_semaphore(%arg15 : memref<!tpu.dma_semaphore, #tpu.memory_space<semaphore_mem>>)
    } else {
    }
    %add3A_21 = arith.constant 48 : i32
    %add3A_22 = arith.addi %add3A_21, %arg1 : i32
    %lt3A_23 = arith.constant 125 : i32
    %lt3A_24 = arith.cmpi slt, %add3A_22, %lt3A_23 : i32
    %convert_element_type3A_25 = arith.extui %lt3A_24 : i1 to i32
    %cond3A_26 = arith.constant 0 : i32
    %cond3A_27 = arith.cmpi ne, %convert_element_type3A_25, %cond3A_26 : i32
    scf.if %cond3A_27 {
      %mul3A_456 = arith.constant 80 : i32
      %mul3A_457 = arith.muli %add3A_22, %mul3A_456 : i32
      %dma_start3A_458 = arith.constant 2 : i32
      %dma_start3A_459 = arith.constant 0 : i32
      %dma_start3A_460 = arith.constant 0 : i32
      %dma_start3A_461 = tpu.memref_slice %arg8[%dma_start3A_458, %dma_start3A_459, %dma_start3A_460] : memref<3x128x128xf32, #tpu.memory_space<vmem>> -> memref<1x128x128xf32, #tpu.memory_space<vmem>>
      %dma_start3A_462 = tpu.memref_squeeze %dma_start3A_461 : memref<1x128x128xf32, #tpu.memory_space<vmem>> -> memref<128x128xf32, #tpu.memory_space<vmem>>
      %dma_start3A_463 = arith.constant 0 : i32
      %dma_start3A_464 = arith.constant 0 : i32
      %dma_start3A_465 = tpu.memref_slice %dma_start3A_462[%dma_start3A_463, %dma_start3A_464] : memref<128x128xf32, #tpu.memory_space<vmem>> -> memref<80x128xf32, #tpu.memory_space<vmem>>
      %dma_start3A_466 = arith.constant 0 : i32
      %dma_start3A_467 = tpu.memref_slice %arg6[%mul3A_457, %dma_start3A_466] : memref<10000x128xf32, #tpu.memory_space<vmem_shared>> -> memref<80x128xf32, #tpu.memory_space<vmem_shared>>
      %dma_start3A_468 = arith.constant 0 : i32
      %dma_start3A_469 = tpu.memref_slice %arg6[%mul3A_457, %dma_start3A_468] : memref<10000x128xf32, #tpu.memory_space<vmem_shared>> -> memref<80x128xf32, #tpu.memory_space<vmem_shared>>
      %dma_start3A_470 = arith.constant 0 : i32
      %dma_start3A_471 = arith.constant 0 : i32
      %dma_start3A_472 = tpu.memref_slice %arg8[%dma_start3A_458, %dma_start3A_470, %dma_start3A_471] : memref<3x128x128xf32, #tpu.memory_space<vmem>> -> memref<1x128x128xf32, #tpu.memory_space<vmem>>
      %dma_start3A_473 = tpu.memref_squeeze %dma_start3A_472 : memref<1x128x128xf32, #tpu.memory_space<vmem>> -> memref<128x128xf32, #tpu.memory_space<vmem>>
      %dma_start3A_474 = arith.constant 0 : i32
      %dma_start3A_475 = arith.constant 0 : i32
      %dma_start3A_476 = tpu.memref_slice %dma_start3A_473[%dma_start3A_474, %dma_start3A_475] : memref<128x128xf32, #tpu.memory_space<vmem>> -> memref<80x128xf32, #tpu.memory_space<vmem>>
      tpu.enqueue_dma source(%dma_start3A_476 : memref<80x128xf32, #tpu.memory_space<vmem>>) target(%dma_start3A_469 : memref<80x128xf32, #tpu.memory_space<vmem_shared>>) target_semaphore(%arg15 : memref<!tpu.dma_semaphore, #tpu.memory_space<semaphore_mem>>)
    } else {
    }
    %add3A_28 = arith.constant 64 : i32
    %add3A_29 = arith.addi %add3A_28, %arg1 : i32
    %lt3A_30 = arith.constant 125 : i32
    %lt3A_31 = arith.cmpi slt, %add3A_29, %lt3A_30 : i32
    %convert_element_type3A_32 = arith.extui %lt3A_31 : i1 to i32
    %cond3A_33 = arith.constant 0 : i32
    %cond3A_34 = arith.cmpi ne, %convert_element_type3A_32, %cond3A_33 : i32
    scf.if %cond3A_34 {
      %mul3A_456 = arith.constant 80 : i32
      %mul3A_457 = arith.muli %add3A_29, %mul3A_456 : i32
      %dma_start3A_458 = arith.constant 2 : i32
      %dma_start3A_459 = arith.constant 0 : i32
      %dma_start3A_460 = arith.constant 0 : i32
      %dma_start3A_461 = tpu.memref_slice %arg8[%dma_start3A_458, %dma_start3A_459, %dma_start3A_460] : memref<3x128x128xf32, #tpu.memory_space<vmem>> -> memref<1x128x128xf32, #tpu.memory_space<vmem>>
      %dma_start3A_462 = tpu.memref_squeeze %dma_start3A_461 : memref<1x128x128xf32, #tpu.memory_space<vmem>> -> memref<128x128xf32, #tpu.memory_space<vmem>>
      %dma_start3A_463 = arith.constant 0 : i32
      %dma_start3A_464 = arith.constant 0 : i32
      %dma_start3A_465 = tpu.memref_slice %dma_start3A_462[%dma_start3A_463, %dma_start3A_464] : memref<128x128xf32, #tpu.memory_space<vmem>> -> memref<80x128xf32, #tpu.memory_space<vmem>>
      %dma_start3A_466 = arith.constant 0 : i32
      %dma_start3A_467 = tpu.memref_slice %arg6[%mul3A_457, %dma_start3A_466] : memref<10000x128xf32, #tpu.memory_space<vmem_shared>> -> memref<80x128xf32, #tpu.memory_space<vmem_shared>>
      %dma_start3A_468 = arith.constant 0 : i32
      %dma_start3A_469 = tpu.memref_slice %arg6[%mul3A_457, %dma_start3A_468] : memref<10000x128xf32, #tpu.memory_space<vmem_shared>> -> memref<80x128xf32, #tpu.memory_space<vmem_shared>>
      %dma_start3A_470 = arith.constant 0 : i32
      %dma_start3A_471 = arith.constant 0 : i32
      %dma_start3A_472 = tpu.memref_slice %arg8[%dma_start3A_458, %dma_start3A_470, %dma_start3A_471] : memref<3x128x128xf32, #tpu.memory_space<vmem>> -> memref<1x128x128xf32, #tpu.memory_space<vmem>>
      %dma_start3A_473 = tpu.memref_squeeze %dma_start3A_472 : memref<1x128x128xf32, #tpu.memory_space<vmem>> -> memref<128x128xf32, #tpu.memory_space<vmem>>
      %dma_start3A_474 = arith.constant 0 : i32
      %dma_start3A_475 = arith.constant 0 : i32
      %dma_start3A_476 = tpu.memref_slice %dma_start3A_473[%dma_start3A_474, %dma_start3A_475] : memref<128x128xf32, #tpu.memory_space<vmem>> -> memref<80x128xf32, #tpu.memory_space<vmem>>
      tpu.enqueue_dma source(%dma_start3A_476 : memref<80x128xf32, #tpu.memory_space<vmem>>) target(%dma_start3A_469 : memref<80x128xf32, #tpu.memory_space<vmem_shared>>) target_semaphore(%arg15 : memref<!tpu.dma_semaphore, #tpu.memory_space<semaphore_mem>>)
    } else {
    }
    %add3A_35 = arith.constant 80 : i32
    %add3A_36 = arith.addi %add3A_35, %arg1 : i32
    %lt3A_37 = arith.constant 125 : i32
    %lt3A_38 = arith.cmpi slt, %add3A_36, %lt3A_37 : i32
    %convert_element_type3A_39 = arith.extui %lt3A_38 : i1 to i32
    %cond3A_40 = arith.constant 0 : i32
    %cond3A_41 = arith.cmpi ne, %convert_element_type3A_39, %cond3A_40 : i32
    scf.if %cond3A_41 {
      %mul3A_456 = arith.constant 80 : i32
      %mul3A_457 = arith.muli %add3A_36, %mul3A_456 : i32
      %dma_start3A_458 = arith.constant 2 : i32
      %dma_start3A_459 = arith.constant 0 : i32
      %dma_start3A_460 = arith.constant 0 : i32
      %dma_start3A_461 = tpu.memref_slice %arg8[%dma_start3A_458, %dma_start3A_459, %dma_start3A_460] : memref<3x128x128xf32, #tpu.memory_space<vmem>> -> memref<1x128x128xf32, #tpu.memory_space<vmem>>
      %dma_start3A_462 = tpu.memref_squeeze %dma_start3A_461 : memref<1x128x128xf32, #tpu.memory_space<vmem>> -> memref<128x128xf32, #tpu.memory_space<vmem>>
      %dma_start3A_463 = arith.constant 0 : i32
      %dma_start3A_464 = arith.constant 0 : i32
      %dma_start3A_465 = tpu.memref_slice %dma_start3A_462[%dma_start3A_463, %dma_start3A_464] : memref<128x128xf32, #tpu.memory_space<vmem>> -> memref<80x128xf32, #tpu.memory_space<vmem>>
      %dma_start3A_466 = arith.constant 0 : i32
      %dma_start3A_467 = tpu.memref_slice %arg6[%mul3A_457, %dma_start3A_466] : memref<10000x128xf32, #tpu.memory_space<vmem_shared>> -> memref<80x128xf32, #tpu.memory_space<vmem_shared>>
      %dma_start3A_468 = arith.constant 0 : i32
      %dma_start3A_469 = tpu.memref_slice %arg6[%mul3A_457, %dma_start3A_468] : memref<10000x128xf32, #tpu.memory_space<vmem_shared>> -> memref<80x128xf32, #tpu.memory_space<vmem_shared>>
      %dma_start3A_470 = arith.constant 0 : i32
      %dma_start3A_471 = arith.constant 0 : i32
      %dma_start3A_472 = tpu.memref_slice %arg8[%dma_start3A_458, %dma_start3A_470, %dma_start3A_471] : memref<3x128x128xf32, #tpu.memory_space<vmem>> -> memref<1x128x128xf32, #tpu.memory_space<vmem>>
      %dma_start3A_473 = tpu.memref_squeeze %dma_start3A_472 : memref<1x128x128xf32, #tpu.memory_space<vmem>> -> memref<128x128xf32, #tpu.memory_space<vmem>>
      %dma_start3A_474 = arith.constant 0 : i32
      %dma_start3A_475 = arith.constant 0 : i32
      %dma_start3A_476 = tpu.memref_slice %dma_start3A_473[%dma_start3A_474, %dma_start3A_475] : memref<128x128xf32, #tpu.memory_space<vmem>> -> memref<80x128xf32, #tpu.memory_space<vmem>>
      tpu.enqueue_dma source(%dma_start3A_476 : memref<80x128xf32, #tpu.memory_space<vmem>>) target(%dma_start3A_469 : memref<80x128xf32, #tpu.memory_space<vmem_shared>>) target_semaphore(%arg15 : memref<!tpu.dma_semaphore, #tpu.memory_space<semaphore_mem>>)
    } else {
    }
    %add3A_42 = arith.constant 96 : i32
    %add3A_43 = arith.addi %add3A_42, %arg1 : i32
    %lt3A_44 = arith.constant 125 : i32
    %lt3A_45 = arith.cmpi slt, %add3A_43, %lt3A_44 : i32
    %convert_element_type3A_46 = arith.extui %lt3A_45 : i1 to i32
    %cond3A_47 = arith.constant 0 : i32
    %cond3A_48 = arith.cmpi ne, %convert_element_type3A_46, %cond3A_47 : i32
    scf.if %cond3A_48 {
      %mul3A_456 = arith.constant 80 : i32
      %mul3A_457 = arith.muli %add3A_43, %mul3A_456 : i32
      %dma_start3A_458 = arith.constant 2 : i32
      %dma_start3A_459 = arith.constant 0 : i32
      %dma_start3A_460 = arith.constant 0 : i32
      %dma_start3A_461 = tpu.memref_slice %arg8[%dma_start3A_458, %dma_start3A_459, %dma_start3A_460] : memref<3x128x128xf32, #tpu.memory_space<vmem>> -> memref<1x128x128xf32, #tpu.memory_space<vmem>>
      %dma_start3A_462 = tpu.memref_squeeze %dma_start3A_461 : memref<1x128x128xf32, #tpu.memory_space<vmem>> -> memref<128x128xf32, #tpu.memory_space<vmem>>
      %dma_start3A_463 = arith.constant 0 : i32
      %dma_start3A_464 = arith.constant 0 : i32
      %dma_start3A_465 = tpu.memref_slice %dma_start3A_462[%dma_start3A_463, %dma_start3A_464] : memref<128x128xf32, #tpu.memory_space<vmem>> -> memref<80x128xf32, #tpu.memory_space<vmem>>
      %dma_start3A_466 = arith.constant 0 : i32
      %dma_start3A_467 = tpu.memref_slice %arg6[%mul3A_457, %dma_start3A_466] : memref<10000x128xf32, #tpu.memory_space<vmem_shared>> -> memref<80x128xf32, #tpu.memory_space<vmem_shared>>
      %dma_start3A_468 = arith.constant 0 : i32
      %dma_start3A_469 = tpu.memref_slice %arg6[%mul3A_457, %dma_start3A_468] : memref<10000x128xf32, #tpu.memory_space<vmem_shared>> -> memref<80x128xf32, #tpu.memory_space<vmem_shared>>
      %dma_start3A_470 = arith.constant 0 : i32
      %dma_start3A_471 = arith.constant 0 : i32
      %dma_start3A_472 = tpu.memref_slice %arg8[%dma_start3A_458, %dma_start3A_470, %dma_start3A_471] : memref<3x128x128xf32, #tpu.memory_space<vmem>> -> memref<1x128x128xf32, #tpu.memory_space<vmem>>
      %dma_start3A_473 = tpu.memref_squeeze %dma_start3A_472 : memref<1x128x128xf32, #tpu.memory_space<vmem>> -> memref<128x128xf32, #tpu.memory_space<vmem>>
      %dma_start3A_474 = arith.constant 0 : i32
      %dma_start3A_475 = arith.constant 0 : i32
      %dma_start3A_476 = tpu.memref_slice %dma_start3A_473[%dma_start3A_474, %dma_start3A_475] : memref<128x128xf32, #tpu.memory_space<vmem>> -> memref<80x128xf32, #tpu.memory_space<vmem>>
      tpu.enqueue_dma source(%dma_start3A_476 : memref<80x128xf32, #tpu.memory_space<vmem>>) target(%dma_start3A_469 : memref<80x128xf32, #tpu.memory_space<vmem_shared>>) target_semaphore(%arg15 : memref<!tpu.dma_semaphore, #tpu.memory_space<semaphore_mem>>)
    } else {
    }
    %add3A_49 = arith.constant 112 : i32
    %add3A_50 = arith.addi %add3A_49, %arg1 : i32
    %lt3A_51 = arith.constant 125 : i32
    %lt3A_52 = arith.cmpi slt, %add3A_50, %lt3A_51 : i32
    %convert_element_type3A_53 = arith.extui %lt3A_52 : i1 to i32
    %cond3A_54 = arith.constant 0 : i32
    %cond3A_55 = arith.cmpi ne, %convert_element_type3A_53, %cond3A_54 : i32
    scf.if %cond3A_55 {
      %mul3A_456 = arith.constant 80 : i32
      %mul3A_457 = arith.muli %add3A_50, %mul3A_456 : i32
      %dma_start3A_458 = arith.constant 2 : i32
      %dma_start3A_459 = arith.constant 0 : i32
      %dma_start3A_460 = arith.constant 0 : i32
      %dma_start3A_461 = tpu.memref_slice %arg8[%dma_start3A_458, %dma_start3A_459, %dma_start3A_460] : memref<3x128x128xf32, #tpu.memory_space<vmem>> -> memref<1x128x128xf32, #tpu.memory_space<vmem>>
      %dma_start3A_462 = tpu.memref_squeeze %dma_start3A_461 : memref<1x128x128xf32, #tpu.memory_space<vmem>> -> memref<128x128xf32, #tpu.memory_space<vmem>>
      %dma_start3A_463 = arith.constant 0 : i32
      %dma_start3A_464 = arith.constant 0 : i32
      %dma_start3A_465 = tpu.memref_slice %dma_start3A_462[%dma_start3A_463, %dma_start3A_464] : memref<128x128xf32, #tpu.memory_space<vmem>> -> memref<80x128xf32, #tpu.memory_space<vmem>>
      %dma_start3A_466 = arith.constant 0 : i32
      %dma_start3A_467 = tpu.memref_slice %arg6[%mul3A_457, %dma_start3A_466] : memref<10000x128xf32, #tpu.memory_space<vmem_shared>> -> memref<80x128xf32, #tpu.memory_space<vmem_shared>>
      %dma_start3A_468 = arith.constant 0 : i32
      %dma_start3A_469 = tpu.memref_slice %arg6[%mul3A_457, %dma_start3A_468] : memref<10000x128xf32, #tpu.memory_space<vmem_shared>> -> memref<80x128xf32, #tpu.memory_space<vmem_shared>>
      %dma_start3A_470 = arith.constant 0 : i32
      %dma_start3A_471 = arith.constant 0 : i32
      %dma_start3A_472 = tpu.memref_slice %arg8[%dma_start3A_458, %dma_start3A_470, %dma_start3A_471] : memref<3x128x128xf32, #tpu.memory_space<vmem>> -> memref<1x128x128xf32, #tpu.memory_space<vmem>>
      %dma_start3A_473 = tpu.memref_squeeze %dma_start3A_472 : memref<1x128x128xf32, #tpu.memory_space<vmem>> -> memref<128x128xf32, #tpu.memory_space<vmem>>
      %dma_start3A_474 = arith.constant 0 : i32
      %dma_start3A_475 = arith.constant 0 : i32
      %dma_start3A_476 = tpu.memref_slice %dma_start3A_473[%dma_start3A_474, %dma_start3A_475] : memref<128x128xf32, #tpu.memory_space<vmem>> -> memref<80x128xf32, #tpu.memory_space<vmem>>
      tpu.enqueue_dma source(%dma_start3A_476 : memref<80x128xf32, #tpu.memory_space<vmem>>) target(%dma_start3A_469 : memref<80x128xf32, #tpu.memory_space<vmem_shared>>) target_semaphore(%arg15 : memref<!tpu.dma_semaphore, #tpu.memory_space<semaphore_mem>>)
    } else {
    }
    %rem3A = arith.constant 0 : i32
    %rem3A_56 = arith.constant 78 : i32
    %rem3A_57 = arith.remsi %rem3A, %rem3A_56 : i32
    %add3A_58 = arith.addi %mul3A_2, %rem3A_57 : i32
    %mul3A_59 = arith.constant 128 : i32
    %mul3A_60 = arith.muli %add3A_58, %mul3A_59 : i32
    %multiple_of3A = tpu.assume_multiple %mul3A_60, 128 : i32
    %dma_start3A = arith.constant 0 : i32
    %dma_start3A_61 = arith.constant 0 : i32
    %dma_start3A_62 = arith.constant 0 : i32
    %dma_start3A_63 = tpu.memref_slice %arg7[%dma_start3A_61, %dma_start3A_62] : memref<6x128xi32, #tpu.memory_space<vmem>> -> memref<1x128xi32, #tpu.memory_space<vmem>>
    %dma_start3A_64 = tpu.memref_squeeze %dma_start3A_63 : memref<1x128xi32, #tpu.memory_space<vmem>> -> memref<128xi32, #tpu.memory_space<vmem>>
    %dma_start3A_65 = tpu.memref_slice %arg3[%dma_start3A, %multiple_of3A] : memref<2x320000xi32, #tpu.memory_space<hbm>> -> memref<1x128xi32, #tpu.memory_space<hbm>>
    %dma_start3A_66 = tpu.memref_squeeze %dma_start3A_65 : memref<1x128xi32, #tpu.memory_space<hbm>> -> memref<128xi32, #tpu.memory_space<hbm>>
    %dma_start3A_67 = arith.constant 0 : i32
    %dma_start3A_68 = tpu.memref_slice %arg7[%dma_start3A_61, %dma_start3A_67] : memref<6x128xi32, #tpu.memory_space<vmem>> -> memref<1x128xi32, #tpu.memory_space<vmem>>
    %dma_start3A_69 = tpu.memref_squeeze %dma_start3A_68 : memref<1x128xi32, #tpu.memory_space<vmem>> -> memref<128xi32, #tpu.memory_space<vmem>>
    %dma_start3A_70 = tpu.memref_slice %arg3[%dma_start3A, %multiple_of3A] : memref<2x320000xi32, #tpu.memory_space<hbm>> -> memref<1x128xi32, #tpu.memory_space<hbm>>
    %dma_start3A_71 = tpu.memref_squeeze %dma_start3A_70 : memref<1x128xi32, #tpu.memory_space<hbm>> -> memref<128xi32, #tpu.memory_space<hbm>>
    tpu.enqueue_dma source(%dma_start3A_71 : memref<128xi32, #tpu.memory_space<hbm>>) target(%dma_start3A_69 : memref<128xi32, #tpu.memory_space<vmem>>) target_semaphore(%arg12 : memref<!tpu.dma_semaphore, #tpu.memory_space<semaphore_mem>>)
    %dma_start3A_72 = arith.constant 1 : i32
    %dma_start3A_73 = arith.constant 3 : i32
    %dma_start3A_74 = arith.constant 0 : i32
    %dma_start3A_75 = tpu.memref_slice %arg7[%dma_start3A_73, %dma_start3A_74] : memref<6x128xi32, #tpu.memory_space<vmem>> -> memref<1x128xi32, #tpu.memory_space<vmem>>
    %dma_start3A_76 = tpu.memref_squeeze %dma_start3A_75 : memref<1x128xi32, #tpu.memory_space<vmem>> -> memref<128xi32, #tpu.memory_space<vmem>>
    %dma_start3A_77 = tpu.memref_slice %arg3[%dma_start3A_72, %multiple_of3A] : memref<2x320000xi32, #tpu.memory_space<hbm>> -> memref<1x128xi32, #tpu.memory_space<hbm>>
    %dma_start3A_78 = tpu.memref_squeeze %dma_start3A_77 : memref<1x128xi32, #tpu.memory_space<hbm>> -> memref<128xi32, #tpu.memory_space<hbm>>
    %dma_start3A_79 = arith.constant 0 : i32
    %dma_start3A_80 = tpu.memref_slice %arg7[%dma_start3A_73, %dma_start3A_79] : memref<6x128xi32, #tpu.memory_space<vmem>> -> memref<1x128xi32, #tpu.memory_space<vmem>>
    %dma_start3A_81 = tpu.memref_squeeze %dma_start3A_80 : memref<1x128xi32, #tpu.memory_space<vmem>> -> memref<128xi32, #tpu.memory_space<vmem>>
    %dma_start3A_82 = tpu.memref_slice %arg3[%dma_start3A_72, %multiple_of3A] : memref<2x320000xi32, #tpu.memory_space<hbm>> -> memref<1x128xi32, #tpu.memory_space<hbm>>
    %dma_start3A_83 = tpu.memref_squeeze %dma_start3A_82 : memref<1x128xi32, #tpu.memory_space<hbm>> -> memref<128xi32, #tpu.memory_space<hbm>>
    tpu.enqueue_dma source(%dma_start3A_83 : memref<128xi32, #tpu.memory_space<hbm>>) target(%dma_start3A_81 : memref<128xi32, #tpu.memory_space<vmem>>) target_semaphore(%arg12 : memref<!tpu.dma_semaphore, #tpu.memory_space<semaphore_mem>>)
    %rem3A_84 = arith.constant 1 : i32
    %rem3A_85 = arith.constant 78 : i32
    %rem3A_86 = arith.remsi %rem3A_84, %rem3A_85 : i32
    %add3A_87 = arith.addi %mul3A_2, %rem3A_86 : i32
    %mul3A_88 = arith.constant 128 : i32
    %mul3A_89 = arith.muli %add3A_87, %mul3A_88 : i32
    %multiple_of3A_90 = tpu.assume_multiple %mul3A_89, 128 : i32
    %dma_start3A_91 = arith.constant 0 : i32
    %dma_start3A_92 = arith.constant 1 : i32
    %dma_start3A_93 = arith.constant 0 : i32
    %dma_start3A_94 = tpu.memref_slice %arg7[%dma_start3A_92, %dma_start3A_93] : memref<6x128xi32, #tpu.memory_space<vmem>> -> memref<1x128xi32, #tpu.memory_space<vmem>>
    %dma_start3A_95 = tpu.memref_squeeze %dma_start3A_94 : memref<1x128xi32, #tpu.memory_space<vmem>> -> memref<128xi32, #tpu.memory_space<vmem>>
    %dma_start3A_96 = tpu.memref_slice %arg3[%dma_start3A_91, %multiple_of3A_90] : memref<2x320000xi32, #tpu.memory_space<hbm>> -> memref<1x128xi32, #tpu.memory_space<hbm>>
    %dma_start3A_97 = tpu.memref_squeeze %dma_start3A_96 : memref<1x128xi32, #tpu.memory_space<hbm>> -> memref<128xi32, #tpu.memory_space<hbm>>
    %dma_start3A_98 = arith.constant 0 : i32
    %dma_start3A_99 = tpu.memref_slice %arg7[%dma_start3A_92, %dma_start3A_98] : memref<6x128xi32, #tpu.memory_space<vmem>> -> memref<1x128xi32, #tpu.memory_space<vmem>>
    %dma_start3A_100 = tpu.memref_squeeze %dma_start3A_99 : memref<1x128xi32, #tpu.memory_space<vmem>> -> memref<128xi32, #tpu.memory_space<vmem>>
    %dma_start3A_101 = tpu.memref_slice %arg3[%dma_start3A_91, %multiple_of3A_90] : memref<2x320000xi32, #tpu.memory_space<hbm>> -> memref<1x128xi32, #tpu.memory_space<hbm>>
    %dma_start3A_102 = tpu.memref_squeeze %dma_start3A_101 : memref<1x128xi32, #tpu.memory_space<hbm>> -> memref<128xi32, #tpu.memory_space<hbm>>
    tpu.enqueue_dma source(%dma_start3A_102 : memref<128xi32, #tpu.memory_space<hbm>>) target(%dma_start3A_100 : memref<128xi32, #tpu.memory_space<vmem>>) target_semaphore(%arg13 : memref<!tpu.dma_semaphore, #tpu.memory_space<semaphore_mem>>)
    %dma_start3A_103 = arith.constant 1 : i32
    %dma_start3A_104 = arith.constant 4 : i32
    %dma_start3A_105 = arith.constant 0 : i32
    %dma_start3A_106 = tpu.memref_slice %arg7[%dma_start3A_104, %dma_start3A_105] : memref<6x128xi32, #tpu.memory_space<vmem>> -> memref<1x128xi32, #tpu.memory_space<vmem>>
    %dma_start3A_107 = tpu.memref_squeeze %dma_start3A_106 : memref<1x128xi32, #tpu.memory_space<vmem>> -> memref<128xi32, #tpu.memory_space<vmem>>
    %dma_start3A_108 = tpu.memref_slice %arg3[%dma_start3A_103, %multiple_of3A_90] : memref<2x320000xi32, #tpu.memory_space<hbm>> -> memref<1x128xi32, #tpu.memory_space<hbm>>
    %dma_start3A_109 = tpu.memref_squeeze %dma_start3A_108 : memref<1x128xi32, #tpu.memory_space<hbm>> -> memref<128xi32, #tpu.memory_space<hbm>>
    %dma_start3A_110 = arith.constant 0 : i32
    %dma_start3A_111 = tpu.memref_slice %arg7[%dma_start3A_104, %dma_start3A_110] : memref<6x128xi32, #tpu.memory_space<vmem>> -> memref<1x128xi32, #tpu.memory_space<vmem>>
    %dma_start3A_112 = tpu.memref_squeeze %dma_start3A_111 : memref<1x128xi32, #tpu.memory_space<vmem>> -> memref<128xi32, #tpu.memory_space<vmem>>
    %dma_start3A_113 = tpu.memref_slice %arg3[%dma_start3A_103, %multiple_of3A_90] : memref<2x320000xi32, #tpu.memory_space<hbm>> -> memref<1x128xi32, #tpu.memory_space<hbm>>
    %dma_start3A_114 = tpu.memref_squeeze %dma_start3A_113 : memref<1x128xi32, #tpu.memory_space<hbm>> -> memref<128xi32, #tpu.memory_space<hbm>>
    tpu.enqueue_dma source(%dma_start3A_114 : memref<128xi32, #tpu.memory_space<hbm>>) target(%dma_start3A_112 : memref<128xi32, #tpu.memory_space<vmem>>) target_semaphore(%arg13 : memref<!tpu.dma_semaphore, #tpu.memory_space<semaphore_mem>>)
    %rem3A_115 = arith.constant 2 : i32
    %rem3A_116 = arith.constant 78 : i32
    %rem3A_117 = arith.remsi %rem3A_115, %rem3A_116 : i32
    %add3A_118 = arith.addi %mul3A_2, %rem3A_117 : i32
    %mul3A_119 = arith.constant 128 : i32
    %mul3A_120 = arith.muli %add3A_118, %mul3A_119 : i32
    %multiple_of3A_121 = tpu.assume_multiple %mul3A_120, 128 : i32
    %dma_start3A_122 = arith.constant 0 : i32
    %dma_start3A_123 = arith.constant 2 : i32
    %dma_start3A_124 = arith.constant 0 : i32
    %dma_start3A_125 = tpu.memref_slice %arg7[%dma_start3A_123, %dma_start3A_124] : memref<6x128xi32, #tpu.memory_space<vmem>> -> memref<1x128xi32, #tpu.memory_space<vmem>>
    %dma_start3A_126 = tpu.memref_squeeze %dma_start3A_125 : memref<1x128xi32, #tpu.memory_space<vmem>> -> memref<128xi32, #tpu.memory_space<vmem>>
    %dma_start3A_127 = tpu.memref_slice %arg3[%dma_start3A_122, %multiple_of3A_121] : memref<2x320000xi32, #tpu.memory_space<hbm>> -> memref<1x128xi32, #tpu.memory_space<hbm>>
    %dma_start3A_128 = tpu.memref_squeeze %dma_start3A_127 : memref<1x128xi32, #tpu.memory_space<hbm>> -> memref<128xi32, #tpu.memory_space<hbm>>
    %dma_start3A_129 = arith.constant 0 : i32
    %dma_start3A_130 = tpu.memref_slice %arg7[%dma_start3A_123, %dma_start3A_129] : memref<6x128xi32, #tpu.memory_space<vmem>> -> memref<1x128xi32, #tpu.memory_space<vmem>>
    %dma_start3A_131 = tpu.memref_squeeze %dma_start3A_130 : memref<1x128xi32, #tpu.memory_space<vmem>> -> memref<128xi32, #tpu.memory_space<vmem>>
    %dma_start3A_132 = tpu.memref_slice %arg3[%dma_start3A_122, %multiple_of3A_121] : memref<2x320000xi32, #tpu.memory_space<hbm>> -> memref<1x128xi32, #tpu.memory_space<hbm>>
    %dma_start3A_133 = tpu.memref_squeeze %dma_start3A_132 : memref<1x128xi32, #tpu.memory_space<hbm>> -> memref<128xi32, #tpu.memory_space<hbm>>
    tpu.enqueue_dma source(%dma_start3A_133 : memref<128xi32, #tpu.memory_space<hbm>>) target(%dma_start3A_131 : memref<128xi32, #tpu.memory_space<vmem>>) target_semaphore(%arg14 : memref<!tpu.dma_semaphore, #tpu.memory_space<semaphore_mem>>)
    %dma_start3A_134 = arith.constant 1 : i32
    %dma_start3A_135 = arith.constant 5 : i32
    %dma_start3A_136 = arith.constant 0 : i32
    %dma_start3A_137 = tpu.memref_slice %arg7[%dma_start3A_135, %dma_start3A_136] : memref<6x128xi32, #tpu.memory_space<vmem>> -> memref<1x128xi32, #tpu.memory_space<vmem>>
    %dma_start3A_138 = tpu.memref_squeeze %dma_start3A_137 : memref<1x128xi32, #tpu.memory_space<vmem>> -> memref<128xi32, #tpu.memory_space<vmem>>
    %dma_start3A_139 = tpu.memref_slice %arg3[%dma_start3A_134, %multiple_of3A_121] : memref<2x320000xi32, #tpu.memory_space<hbm>> -> memref<1x128xi32, #tpu.memory_space<hbm>>
    %dma_start3A_140 = tpu.memref_squeeze %dma_start3A_139 : memref<1x128xi32, #tpu.memory_space<hbm>> -> memref<128xi32, #tpu.memory_space<hbm>>
    %dma_start3A_141 = arith.constant 0 : i32
    %dma_start3A_142 = tpu.memref_slice %arg7[%dma_start3A_135, %dma_start3A_141] : memref<6x128xi32, #tpu.memory_space<vmem>> -> memref<1x128xi32, #tpu.memory_space<vmem>>
    %dma_start3A_143 = tpu.memref_squeeze %dma_start3A_142 : memref<1x128xi32, #tpu.memory_space<vmem>> -> memref<128xi32, #tpu.memory_space<vmem>>
    %dma_start3A_144 = tpu.memref_slice %arg3[%dma_start3A_134, %multiple_of3A_121] : memref<2x320000xi32, #tpu.memory_space<hbm>> -> memref<1x128xi32, #tpu.memory_space<hbm>>
    %dma_start3A_145 = tpu.memref_squeeze %dma_start3A_144 : memref<1x128xi32, #tpu.memory_space<hbm>> -> memref<128xi32, #tpu.memory_space<hbm>>
    tpu.enqueue_dma source(%dma_start3A_145 : memref<128xi32, #tpu.memory_space<hbm>>) target(%dma_start3A_143 : memref<128xi32, #tpu.memory_space<vmem>>) target_semaphore(%arg14 : memref<!tpu.dma_semaphore, #tpu.memory_space<semaphore_mem>>)
    %dma_wait3A = arith.constant 0 : i32
    %dma_wait3A_146 = arith.constant 0 : i32
    %dma_wait3A_147 = arith.constant 0 : i32
    %dma_wait3A_148 = tpu.memref_slice %arg7[%dma_wait3A_146, %dma_wait3A_147] : memref<6x128xi32, #tpu.memory_space<vmem>> -> memref<1x128xi32, #tpu.memory_space<vmem>>
    %dma_wait3A_149 = tpu.memref_squeeze %dma_wait3A_148 : memref<1x128xi32, #tpu.memory_space<vmem>> -> memref<128xi32, #tpu.memory_space<vmem>>
    %dma_wait3A_150 = arith.constant 0 : i32
    %dma_wait3A_151 = tpu.memref_slice %arg3[%dma_wait3A, %dma_wait3A_150] : memref<2x320000xi32, #tpu.memory_space<hbm>> -> memref<1x128xi32, #tpu.memory_space<hbm>>
    %dma_wait3A_152 = tpu.memref_squeeze %dma_wait3A_151 : memref<1x128xi32, #tpu.memory_space<hbm>> -> memref<128xi32, #tpu.memory_space<hbm>>
    %dma_wait3A_153 = arith.constant 0 : i32
    %dma_wait3A_154 = tpu.memref_slice %arg7[%dma_wait3A_146, %dma_wait3A_153] : memref<6x128xi32, #tpu.memory_space<vmem>> -> memref<1x128xi32, #tpu.memory_space<vmem>>
    %dma_wait3A_155 = tpu.memref_squeeze %dma_wait3A_154 : memref<1x128xi32, #tpu.memory_space<vmem>> -> memref<128xi32, #tpu.memory_space<vmem>>
    %dma_wait3A_156 = arith.constant 0 : i32
    %dma_wait3A_157 = tpu.memref_slice %arg3[%dma_wait3A, %dma_wait3A_156] : memref<2x320000xi32, #tpu.memory_space<hbm>> -> memref<1x128xi32, #tpu.memory_space<hbm>>
    %dma_wait3A_158 = tpu.memref_squeeze %dma_wait3A_157 : memref<1x128xi32, #tpu.memory_space<hbm>> -> memref<128xi32, #tpu.memory_space<hbm>>
    tpu.wait_dma2 semaphore(%arg12 : memref<!tpu.dma_semaphore, #tpu.memory_space<semaphore_mem>>) src(%dma_wait3A_158 : memref<128xi32, #tpu.memory_space<hbm>>) dst(%dma_wait3A_155 : memref<128xi32, #tpu.memory_space<vmem>>)
    %dma_wait3A_159 = arith.constant 1 : i32
    %dma_wait3A_160 = arith.constant 3 : i32
    %dma_wait3A_161 = arith.constant 0 : i32
    %dma_wait3A_162 = tpu.memref_slice %arg7[%dma_wait3A_160, %dma_wait3A_161] : memref<6x128xi32, #tpu.memory_space<vmem>> -> memref<1x128xi32, #tpu.memory_space<vmem>>
    %dma_wait3A_163 = tpu.memref_squeeze %dma_wait3A_162 : memref<1x128xi32, #tpu.memory_space<vmem>> -> memref<128xi32, #tpu.memory_space<vmem>>
    %dma_wait3A_164 = arith.constant 0 : i32
    %dma_wait3A_165 = tpu.memref_slice %arg3[%dma_wait3A_159, %dma_wait3A_164] : memref<2x320000xi32, #tpu.memory_space<hbm>> -> memref<1x128xi32, #tpu.memory_space<hbm>>
    %dma_wait3A_166 = tpu.memref_squeeze %dma_wait3A_165 : memref<1x128xi32, #tpu.memory_space<hbm>> -> memref<128xi32, #tpu.memory_space<hbm>>
    %dma_wait3A_167 = arith.constant 0 : i32
    %dma_wait3A_168 = tpu.memref_slice %arg7[%dma_wait3A_160, %dma_wait3A_167] : memref<6x128xi32, #tpu.memory_space<vmem>> -> memref<1x128xi32, #tpu.memory_space<vmem>>
    %dma_wait3A_169 = tpu.memref_squeeze %dma_wait3A_168 : memref<1x128xi32, #tpu.memory_space<vmem>> -> memref<128xi32, #tpu.memory_space<vmem>>
    %dma_wait3A_170 = arith.constant 0 : i32
    %dma_wait3A_171 = tpu.memref_slice %arg3[%dma_wait3A_159, %dma_wait3A_170] : memref<2x320000xi32, #tpu.memory_space<hbm>> -> memref<1x128xi32, #tpu.memory_space<hbm>>
    %dma_wait3A_172 = tpu.memref_squeeze %dma_wait3A_171 : memref<1x128xi32, #tpu.memory_space<hbm>> -> memref<128xi32, #tpu.memory_space<hbm>>
    tpu.wait_dma2 semaphore(%arg12 : memref<!tpu.dma_semaphore, #tpu.memory_space<semaphore_mem>>) src(%dma_wait3A_172 : memref<128xi32, #tpu.memory_space<hbm>>) dst(%dma_wait3A_169 : memref<128xi32, #tpu.memory_space<vmem>>)
    %dma_start3A_173 = arith.constant 0 : i32
    %dma_start3A_174 = arith.constant 0 : i32
    %dma_start3A_175 = arith.constant 0 : i32
    %dma_start3A_176 = arith.constant 0 : i32
    %dma_start3A_177 = tpu.memref_slice %arg8[%dma_start3A_174, %dma_start3A_175, %dma_start3A_176] : memref<3x128x128xf32, #tpu.memory_space<vmem>> -> memref<1x128x128xf32, #tpu.memory_space<vmem>>
    %dma_start3A_178 = tpu.memref_squeeze %dma_start3A_177 : memref<1x128x128xf32, #tpu.memory_space<vmem>> -> memref<128x128xf32, #tpu.memory_space<vmem>>
    %dma_start3A_179 = arith.constant 0 : i32
    %dma_start3A_180 = tpu.memref_slice %arg7[%dma_start3A_173, %dma_start3A_179] : memref<6x128xi32, #tpu.memory_space<vmem>> -> memref<1x128xi32, #tpu.memory_space<vmem>>
    %dma_start3A_181 = tpu.memref_squeeze %dma_start3A_180 : memref<1x128xi32, #tpu.memory_space<vmem>> -> memref<128xi32, #tpu.memory_space<vmem>>
    %dma_start3A_182 = arith.constant 0 : i32
    %dma_start3A_183 = arith.constant 0 : i32
    %dma_start3A_184 = tpu.memref_slice %arg2[%dma_start3A_182, %dma_start3A_183] : memref<10000x128xf32, #tpu.memory_space<hbm>> -> memref<10000x128xf32, #tpu.memory_space<hbm>>
    tpu.enqueue_indirect_dma source(%dma_start3A_184 : memref<10000x128xf32, #tpu.memory_space<hbm>>) target(%dma_start3A_178 : memref<128x128xf32, #tpu.memory_space<vmem>>) offsets(%dma_start3A_181 : memref<128xi32, #tpu.memory_space<vmem>>) semaphore(%arg9 : memref<!tpu.dma_semaphore, #tpu.memory_space<semaphore_mem>>)
    %dma_wait3A_185 = arith.constant 0 : i32
    %dma_wait3A_186 = arith.constant 1 : i32
    %dma_wait3A_187 = arith.constant 0 : i32
    %dma_wait3A_188 = tpu.memref_slice %arg7[%dma_wait3A_186, %dma_wait3A_187] : memref<6x128xi32, #tpu.memory_space<vmem>> -> memref<1x128xi32, #tpu.memory_space<vmem>>
    %dma_wait3A_189 = tpu.memref_squeeze %dma_wait3A_188 : memref<1x128xi32, #tpu.memory_space<vmem>> -> memref<128xi32, #tpu.memory_space<vmem>>
    %dma_wait3A_190 = arith.constant 0 : i32
    %dma_wait3A_191 = tpu.memref_slice %arg3[%dma_wait3A_185, %dma_wait3A_190] : memref<2x320000xi32, #tpu.memory_space<hbm>> -> memref<1x128xi32, #tpu.memory_space<hbm>>
    %dma_wait3A_192 = tpu.memref_squeeze %dma_wait3A_191 : memref<1x128xi32, #tpu.memory_space<hbm>> -> memref<128xi32, #tpu.memory_space<hbm>>
    %dma_wait3A_193 = arith.constant 0 : i32
    %dma_wait3A_194 = tpu.memref_slice %arg7[%dma_wait3A_186, %dma_wait3A_193] : memref<6x128xi32, #tpu.memory_space<vmem>> -> memref<1x128xi32, #tpu.memory_space<vmem>>
    %dma_wait3A_195 = tpu.memref_squeeze %dma_wait3A_194 : memref<1x128xi32, #tpu.memory_space<vmem>> -> memref<128xi32, #tpu.memory_space<vmem>>
    %dma_wait3A_196 = arith.constant 0 : i32
    %dma_wait3A_197 = tpu.memref_slice %arg3[%dma_wait3A_185, %dma_wait3A_196] : memref<2x320000xi32, #tpu.memory_space<hbm>> -> memref<1x128xi32, #tpu.memory_space<hbm>>
    %dma_wait3A_198 = tpu.memref_squeeze %dma_wait3A_197 : memref<1x128xi32, #tpu.memory_space<hbm>> -> memref<128xi32, #tpu.memory_space<hbm>>
    tpu.wait_dma2 semaphore(%arg13 : memref<!tpu.dma_semaphore, #tpu.memory_space<semaphore_mem>>) src(%dma_wait3A_198 : memref<128xi32, #tpu.memory_space<hbm>>) dst(%dma_wait3A_195 : memref<128xi32, #tpu.memory_space<vmem>>)
    %dma_wait3A_199 = arith.constant 1 : i32
    %dma_wait3A_200 = arith.constant 4 : i32
    %dma_wait3A_201 = arith.constant 0 : i32
    %dma_wait3A_202 = tpu.memref_slice %arg7[%dma_wait3A_200, %dma_wait3A_201] : memref<6x128xi32, #tpu.memory_space<vmem>> -> memref<1x128xi32, #tpu.memory_space<vmem>>
    %dma_wait3A_203 = tpu.memref_squeeze %dma_wait3A_202 : memref<1x128xi32, #tpu.memory_space<vmem>> -> memref<128xi32, #tpu.memory_space<vmem>>
    %dma_wait3A_204 = arith.constant 0 : i32
    %dma_wait3A_205 = tpu.memref_slice %arg3[%dma_wait3A_199, %dma_wait3A_204] : memref<2x320000xi32, #tpu.memory_space<hbm>> -> memref<1x128xi32, #tpu.memory_space<hbm>>
    %dma_wait3A_206 = tpu.memref_squeeze %dma_wait3A_205 : memref<1x128xi32, #tpu.memory_space<hbm>> -> memref<128xi32, #tpu.memory_space<hbm>>
    %dma_wait3A_207 = arith.constant 0 : i32
    %dma_wait3A_208 = tpu.memref_slice %arg7[%dma_wait3A_200, %dma_wait3A_207] : memref<6x128xi32, #tpu.memory_space<vmem>> -> memref<1x128xi32, #tpu.memory_space<vmem>>
    %dma_wait3A_209 = tpu.memref_squeeze %dma_wait3A_208 : memref<1x128xi32, #tpu.memory_space<vmem>> -> memref<128xi32, #tpu.memory_space<vmem>>
    %dma_wait3A_210 = arith.constant 0 : i32
    %dma_wait3A_211 = tpu.memref_slice %arg3[%dma_wait3A_199, %dma_wait3A_210] : memref<2x320000xi32, #tpu.memory_space<hbm>> -> memref<1x128xi32, #tpu.memory_space<hbm>>
    %dma_wait3A_212 = tpu.memref_squeeze %dma_wait3A_211 : memref<1x128xi32, #tpu.memory_space<hbm>> -> memref<128xi32, #tpu.memory_space<hbm>>
    tpu.wait_dma2 semaphore(%arg13 : memref<!tpu.dma_semaphore, #tpu.memory_space<semaphore_mem>>) src(%dma_wait3A_212 : memref<128xi32, #tpu.memory_space<hbm>>) dst(%dma_wait3A_209 : memref<128xi32, #tpu.memory_space<vmem>>)
    %dma_start3A_213 = arith.constant 1 : i32
    %dma_start3A_214 = arith.constant 1 : i32
    %dma_start3A_215 = arith.constant 0 : i32
    %dma_start3A_216 = arith.constant 0 : i32
    %dma_start3A_217 = tpu.memref_slice %arg8[%dma_start3A_214, %dma_start3A_215, %dma_start3A_216] : memref<3x128x128xf32, #tpu.memory_space<vmem>> -> memref<1x128x128xf32, #tpu.memory_space<vmem>>
    %dma_start3A_218 = tpu.memref_squeeze %dma_start3A_217 : memref<1x128x128xf32, #tpu.memory_space<vmem>> -> memref<128x128xf32, #tpu.memory_space<vmem>>
    %dma_start3A_219 = arith.constant 0 : i32
    %dma_start3A_220 = tpu.memref_slice %arg7[%dma_start3A_213, %dma_start3A_219] : memref<6x128xi32, #tpu.memory_space<vmem>> -> memref<1x128xi32, #tpu.memory_space<vmem>>
    %dma_start3A_221 = tpu.memref_squeeze %dma_start3A_220 : memref<1x128xi32, #tpu.memory_space<vmem>> -> memref<128xi32, #tpu.memory_space<vmem>>
    %dma_start3A_222 = arith.constant 0 : i32
    %dma_start3A_223 = arith.constant 0 : i32
    %dma_start3A_224 = tpu.memref_slice %arg2[%dma_start3A_222, %dma_start3A_223] : memref<10000x128xf32, #tpu.memory_space<hbm>> -> memref<10000x128xf32, #tpu.memory_space<hbm>>
    tpu.enqueue_indirect_dma source(%dma_start3A_224 : memref<10000x128xf32, #tpu.memory_space<hbm>>) target(%dma_start3A_218 : memref<128x128xf32, #tpu.memory_space<vmem>>) offsets(%dma_start3A_221 : memref<128xi32, #tpu.memory_space<vmem>>) semaphore(%arg10 : memref<!tpu.dma_semaphore, #tpu.memory_space<semaphore_mem>>)
    %add3A_225 = arith.constant 0 : i32
    %add3A_226 = arith.addi %add3A_225, %arg1 : i32
    %lt3A_227 = arith.constant 125 : i32
    %lt3A_228 = arith.cmpi slt, %add3A_226, %lt3A_227 : i32
    %convert_element_type3A_229 = arith.extui %lt3A_228 : i1 to i32
    %cond3A_230 = arith.constant 0 : i32
    %cond3A_231 = arith.cmpi ne, %convert_element_type3A_229, %cond3A_230 : i32
    scf.if %cond3A_231 {
      %mul3A_456 = arith.constant 80 : i32
      %mul3A_457 = arith.muli %add3A_226, %mul3A_456 : i32
      %dma_wait3A_458 = arith.constant 2 : i32
      %dma_wait3A_459 = arith.constant 0 : i32
      %dma_wait3A_460 = arith.constant 0 : i32
      %dma_wait3A_461 = tpu.memref_slice %arg8[%dma_wait3A_458, %dma_wait3A_459, %dma_wait3A_460] : memref<3x128x128xf32, #tpu.memory_space<vmem>> -> memref<1x128x128xf32, #tpu.memory_space<vmem>>
      %dma_wait3A_462 = tpu.memref_squeeze %dma_wait3A_461 : memref<1x128x128xf32, #tpu.memory_space<vmem>> -> memref<128x128xf32, #tpu.memory_space<vmem>>
      %dma_wait3A_463 = arith.constant 0 : i32
      %dma_wait3A_464 = arith.constant 0 : i32
      %dma_wait3A_465 = tpu.memref_slice %dma_wait3A_462[%dma_wait3A_463, %dma_wait3A_464] : memref<128x128xf32, #tpu.memory_space<vmem>> -> memref<80x128xf32, #tpu.memory_space<vmem>>
      %dma_wait3A_466 = arith.constant 0 : i32
      %dma_wait3A_467 = tpu.memref_slice %arg6[%mul3A_457, %dma_wait3A_466] : memref<10000x128xf32, #tpu.memory_space<vmem_shared>> -> memref<80x128xf32, #tpu.memory_space<vmem_shared>>
      %dma_wait3A_468 = arith.constant 0 : i32
      %dma_wait3A_469 = tpu.memref_slice %arg6[%mul3A_457, %dma_wait3A_468] : memref<10000x128xf32, #tpu.memory_space<vmem_shared>> -> memref<80x128xf32, #tpu.memory_space<vmem_shared>>
      %dma_wait3A_470 = arith.constant 0 : i32
      %dma_wait3A_471 = arith.constant 0 : i32
      %dma_wait3A_472 = tpu.memref_slice %arg8[%dma_wait3A_458, %dma_wait3A_470, %dma_wait3A_471] : memref<3x128x128xf32, #tpu.memory_space<vmem>> -> memref<1x128x128xf32, #tpu.memory_space<vmem>>
      %dma_wait3A_473 = tpu.memref_squeeze %dma_wait3A_472 : memref<1x128x128xf32, #tpu.memory_space<vmem>> -> memref<128x128xf32, #tpu.memory_space<vmem>>
      %dma_wait3A_474 = arith.constant 0 : i32
      %dma_wait3A_475 = arith.constant 0 : i32
      %dma_wait3A_476 = tpu.memref_slice %dma_wait3A_473[%dma_wait3A_474, %dma_wait3A_475] : memref<128x128xf32, #tpu.memory_space<vmem>> -> memref<80x128xf32, #tpu.memory_space<vmem>>
      tpu.wait_dma2 semaphore(%arg15 : memref<!tpu.dma_semaphore, #tpu.memory_space<semaphore_mem>>) src(%dma_wait3A_476 : memref<80x128xf32, #tpu.memory_space<vmem>>) dst(%dma_wait3A_469 : memref<80x128xf32, #tpu.memory_space<vmem_shared>>)
    } else {
    }
    %add3A_232 = arith.constant 16 : i32
    %add3A_233 = arith.addi %add3A_232, %arg1 : i32
    %lt3A_234 = arith.constant 125 : i32
    %lt3A_235 = arith.cmpi slt, %add3A_233, %lt3A_234 : i32
    %convert_element_type3A_236 = arith.extui %lt3A_235 : i1 to i32
    %cond3A_237 = arith.constant 0 : i32
    %cond3A_238 = arith.cmpi ne, %convert_element_type3A_236, %cond3A_237 : i32
    scf.if %cond3A_238 {
      %mul3A_456 = arith.constant 80 : i32
      %mul3A_457 = arith.muli %add3A_233, %mul3A_456 : i32
      %dma_wait3A_458 = arith.constant 2 : i32
      %dma_wait3A_459 = arith.constant 0 : i32
      %dma_wait3A_460 = arith.constant 0 : i32
      %dma_wait3A_461 = tpu.memref_slice %arg8[%dma_wait3A_458, %dma_wait3A_459, %dma_wait3A_460] : memref<3x128x128xf32, #tpu.memory_space<vmem>> -> memref<1x128x128xf32, #tpu.memory_space<vmem>>
      %dma_wait3A_462 = tpu.memref_squeeze %dma_wait3A_461 : memref<1x128x128xf32, #tpu.memory_space<vmem>> -> memref<128x128xf32, #tpu.memory_space<vmem>>
      %dma_wait3A_463 = arith.constant 0 : i32
      %dma_wait3A_464 = arith.constant 0 : i32
      %dma_wait3A_465 = tpu.memref_slice %dma_wait3A_462[%dma_wait3A_463, %dma_wait3A_464] : memref<128x128xf32, #tpu.memory_space<vmem>> -> memref<80x128xf32, #tpu.memory_space<vmem>>
      %dma_wait3A_466 = arith.constant 0 : i32
      %dma_wait3A_467 = tpu.memref_slice %arg6[%mul3A_457, %dma_wait3A_466] : memref<10000x128xf32, #tpu.memory_space<vmem_shared>> -> memref<80x128xf32, #tpu.memory_space<vmem_shared>>
      %dma_wait3A_468 = arith.constant 0 : i32
      %dma_wait3A_469 = tpu.memref_slice %arg6[%mul3A_457, %dma_wait3A_468] : memref<10000x128xf32, #tpu.memory_space<vmem_shared>> -> memref<80x128xf32, #tpu.memory_space<vmem_shared>>
      %dma_wait3A_470 = arith.constant 0 : i32
      %dma_wait3A_471 = arith.constant 0 : i32
      %dma_wait3A_472 = tpu.memref_slice %arg8[%dma_wait3A_458, %dma_wait3A_470, %dma_wait3A_471] : memref<3x128x128xf32, #tpu.memory_space<vmem>> -> memref<1x128x128xf32, #tpu.memory_space<vmem>>
      %dma_wait3A_473 = tpu.memref_squeeze %dma_wait3A_472 : memref<1x128x128xf32, #tpu.memory_space<vmem>> -> memref<128x128xf32, #tpu.memory_space<vmem>>
      %dma_wait3A_474 = arith.constant 0 : i32
      %dma_wait3A_475 = arith.constant 0 : i32
      %dma_wait3A_476 = tpu.memref_slice %dma_wait3A_473[%dma_wait3A_474, %dma_wait3A_475] : memref<128x128xf32, #tpu.memory_space<vmem>> -> memref<80x128xf32, #tpu.memory_space<vmem>>
      tpu.wait_dma2 semaphore(%arg15 : memref<!tpu.dma_semaphore, #tpu.memory_space<semaphore_mem>>) src(%dma_wait3A_476 : memref<80x128xf32, #tpu.memory_space<vmem>>) dst(%dma_wait3A_469 : memref<80x128xf32, #tpu.memory_space<vmem_shared>>)
    } else {
    }
    %add3A_239 = arith.constant 32 : i32
    %add3A_240 = arith.addi %add3A_239, %arg1 : i32
    %lt3A_241 = arith.constant 125 : i32
    %lt3A_242 = arith.cmpi slt, %add3A_240, %lt3A_241 : i32
    %convert_element_type3A_243 = arith.extui %lt3A_242 : i1 to i32
    %cond3A_244 = arith.constant 0 : i32
    %cond3A_245 = arith.cmpi ne, %convert_element_type3A_243, %cond3A_244 : i32
    scf.if %cond3A_245 {
      %mul3A_456 = arith.constant 80 : i32
      %mul3A_457 = arith.muli %add3A_240, %mul3A_456 : i32
      %dma_wait3A_458 = arith.constant 2 : i32
      %dma_wait3A_459 = arith.constant 0 : i32
      %dma_wait3A_460 = arith.constant 0 : i32
      %dma_wait3A_461 = tpu.memref_slice %arg8[%dma_wait3A_458, %dma_wait3A_459, %dma_wait3A_460] : memref<3x128x128xf32, #tpu.memory_space<vmem>> -> memref<1x128x128xf32, #tpu.memory_space<vmem>>
      %dma_wait3A_462 = tpu.memref_squeeze %dma_wait3A_461 : memref<1x128x128xf32, #tpu.memory_space<vmem>> -> memref<128x128xf32, #tpu.memory_space<vmem>>
      %dma_wait3A_463 = arith.constant 0 : i32
      %dma_wait3A_464 = arith.constant 0 : i32
      %dma_wait3A_465 = tpu.memref_slice %dma_wait3A_462[%dma_wait3A_463, %dma_wait3A_464] : memref<128x128xf32, #tpu.memory_space<vmem>> -> memref<80x128xf32, #tpu.memory_space<vmem>>
      %dma_wait3A_466 = arith.constant 0 : i32
      %dma_wait3A_467 = tpu.memref_slice %arg6[%mul3A_457, %dma_wait3A_466] : memref<10000x128xf32, #tpu.memory_space<vmem_shared>> -> memref<80x128xf32, #tpu.memory_space<vmem_shared>>
      %dma_wait3A_468 = arith.constant 0 : i32
      %dma_wait3A_469 = tpu.memref_slice %arg6[%mul3A_457, %dma_wait3A_468] : memref<10000x128xf32, #tpu.memory_space<vmem_shared>> -> memref<80x128xf32, #tpu.memory_space<vmem_shared>>
      %dma_wait3A_470 = arith.constant 0 : i32
      %dma_wait3A_471 = arith.constant 0 : i32
      %dma_wait3A_472 = tpu.memref_slice %arg8[%dma_wait3A_458, %dma_wait3A_470, %dma_wait3A_471] : memref<3x128x128xf32, #tpu.memory_space<vmem>> -> memref<1x128x128xf32, #tpu.memory_space<vmem>>
      %dma_wait3A_473 = tpu.memref_squeeze %dma_wait3A_472 : memref<1x128x128xf32, #tpu.memory_space<vmem>> -> memref<128x128xf32, #tpu.memory_space<vmem>>
      %dma_wait3A_474 = arith.constant 0 : i32
      %dma_wait3A_475 = arith.constant 0 : i32
      %dma_wait3A_476 = tpu.memref_slice %dma_wait3A_473[%dma_wait3A_474, %dma_wait3A_475] : memref<128x128xf32, #tpu.memory_space<vmem>> -> memref<80x128xf32, #tpu.memory_space<vmem>>
      tpu.wait_dma2 semaphore(%arg15 : memref<!tpu.dma_semaphore, #tpu.memory_space<semaphore_mem>>) src(%dma_wait3A_476 : memref<80x128xf32, #tpu.memory_space<vmem>>) dst(%dma_wait3A_469 : memref<80x128xf32, #tpu.memory_space<vmem_shared>>)
    } else {
    }
    %add3A_246 = arith.constant 48 : i32
    %add3A_247 = arith.addi %add3A_246, %arg1 : i32
    %lt3A_248 = arith.constant 125 : i32
    %lt3A_249 = arith.cmpi slt, %add3A_247, %lt3A_248 : i32
    %convert_element_type3A_250 = arith.extui %lt3A_249 : i1 to i32
    %cond3A_251 = arith.constant 0 : i32
    %cond3A_252 = arith.cmpi ne, %convert_element_type3A_250, %cond3A_251 : i32
    scf.if %cond3A_252 {
      %mul3A_456 = arith.constant 80 : i32
      %mul3A_457 = arith.muli %add3A_247, %mul3A_456 : i32
      %dma_wait3A_458 = arith.constant 2 : i32
      %dma_wait3A_459 = arith.constant 0 : i32
      %dma_wait3A_460 = arith.constant 0 : i32
      %dma_wait3A_461 = tpu.memref_slice %arg8[%dma_wait3A_458, %dma_wait3A_459, %dma_wait3A_460] : memref<3x128x128xf32, #tpu.memory_space<vmem>> -> memref<1x128x128xf32, #tpu.memory_space<vmem>>
      %dma_wait3A_462 = tpu.memref_squeeze %dma_wait3A_461 : memref<1x128x128xf32, #tpu.memory_space<vmem>> -> memref<128x128xf32, #tpu.memory_space<vmem>>
      %dma_wait3A_463 = arith.constant 0 : i32
      %dma_wait3A_464 = arith.constant 0 : i32
      %dma_wait3A_465 = tpu.memref_slice %dma_wait3A_462[%dma_wait3A_463, %dma_wait3A_464] : memref<128x128xf32, #tpu.memory_space<vmem>> -> memref<80x128xf32, #tpu.memory_space<vmem>>
      %dma_wait3A_466 = arith.constant 0 : i32
      %dma_wait3A_467 = tpu.memref_slice %arg6[%mul3A_457, %dma_wait3A_466] : memref<10000x128xf32, #tpu.memory_space<vmem_shared>> -> memref<80x128xf32, #tpu.memory_space<vmem_shared>>
      %dma_wait3A_468 = arith.constant 0 : i32
      %dma_wait3A_469 = tpu.memref_slice %arg6[%mul3A_457, %dma_wait3A_468] : memref<10000x128xf32, #tpu.memory_space<vmem_shared>> -> memref<80x128xf32, #tpu.memory_space<vmem_shared>>
      %dma_wait3A_470 = arith.constant 0 : i32
      %dma_wait3A_471 = arith.constant 0 : i32
      %dma_wait3A_472 = tpu.memref_slice %arg8[%dma_wait3A_458, %dma_wait3A_470, %dma_wait3A_471] : memref<3x128x128xf32, #tpu.memory_space<vmem>> -> memref<1x128x128xf32, #tpu.memory_space<vmem>>
      %dma_wait3A_473 = tpu.memref_squeeze %dma_wait3A_472 : memref<1x128x128xf32, #tpu.memory_space<vmem>> -> memref<128x128xf32, #tpu.memory_space<vmem>>
      %dma_wait3A_474 = arith.constant 0 : i32
      %dma_wait3A_475 = arith.constant 0 : i32
      %dma_wait3A_476 = tpu.memref_slice %dma_wait3A_473[%dma_wait3A_474, %dma_wait3A_475] : memref<128x128xf32, #tpu.memory_space<vmem>> -> memref<80x128xf32, #tpu.memory_space<vmem>>
      tpu.wait_dma2 semaphore(%arg15 : memref<!tpu.dma_semaphore, #tpu.memory_space<semaphore_mem>>) src(%dma_wait3A_476 : memref<80x128xf32, #tpu.memory_space<vmem>>) dst(%dma_wait3A_469 : memref<80x128xf32, #tpu.memory_space<vmem_shared>>)
    } else {
    }
    %add3A_253 = arith.constant 64 : i32
    %add3A_254 = arith.addi %add3A_253, %arg1 : i32
    %lt3A_255 = arith.constant 125 : i32
    %lt3A_256 = arith.cmpi slt, %add3A_254, %lt3A_255 : i32
    %convert_element_type3A_257 = arith.extui %lt3A_256 : i1 to i32
    %cond3A_258 = arith.constant 0 : i32
    %cond3A_259 = arith.cmpi ne, %convert_element_type3A_257, %cond3A_258 : i32
    scf.if %cond3A_259 {
      %mul3A_456 = arith.constant 80 : i32
      %mul3A_457 = arith.muli %add3A_254, %mul3A_456 : i32
      %dma_wait3A_458 = arith.constant 2 : i32
      %dma_wait3A_459 = arith.constant 0 : i32
      %dma_wait3A_460 = arith.constant 0 : i32
      %dma_wait3A_461 = tpu.memref_slice %arg8[%dma_wait3A_458, %dma_wait3A_459, %dma_wait3A_460] : memref<3x128x128xf32, #tpu.memory_space<vmem>> -> memref<1x128x128xf32, #tpu.memory_space<vmem>>
      %dma_wait3A_462 = tpu.memref_squeeze %dma_wait3A_461 : memref<1x128x128xf32, #tpu.memory_space<vmem>> -> memref<128x128xf32, #tpu.memory_space<vmem>>
      %dma_wait3A_463 = arith.constant 0 : i32
      %dma_wait3A_464 = arith.constant 0 : i32
      %dma_wait3A_465 = tpu.memref_slice %dma_wait3A_462[%dma_wait3A_463, %dma_wait3A_464] : memref<128x128xf32, #tpu.memory_space<vmem>> -> memref<80x128xf32, #tpu.memory_space<vmem>>
      %dma_wait3A_466 = arith.constant 0 : i32
      %dma_wait3A_467 = tpu.memref_slice %arg6[%mul3A_457, %dma_wait3A_466] : memref<10000x128xf32, #tpu.memory_space<vmem_shared>> -> memref<80x128xf32, #tpu.memory_space<vmem_shared>>
      %dma_wait3A_468 = arith.constant 0 : i32
      %dma_wait3A_469 = tpu.memref_slice %arg6[%mul3A_457, %dma_wait3A_468] : memref<10000x128xf32, #tpu.memory_space<vmem_shared>> -> memref<80x128xf32, #tpu.memory_space<vmem_shared>>
      %dma_wait3A_470 = arith.constant 0 : i32
      %dma_wait3A_471 = arith.constant 0 : i32
      %dma_wait3A_472 = tpu.memref_slice %arg8[%dma_wait3A_458, %dma_wait3A_470, %dma_wait3A_471] : memref<3x128x128xf32, #tpu.memory_space<vmem>> -> memref<1x128x128xf32, #tpu.memory_space<vmem>>
      %dma_wait3A_473 = tpu.memref_squeeze %dma_wait3A_472 : memref<1x128x128xf32, #tpu.memory_space<vmem>> -> memref<128x128xf32, #tpu.memory_space<vmem>>
      %dma_wait3A_474 = arith.constant 0 : i32
      %dma_wait3A_475 = arith.constant 0 : i32
      %dma_wait3A_476 = tpu.memref_slice %dma_wait3A_473[%dma_wait3A_474, %dma_wait3A_475] : memref<128x128xf32, #tpu.memory_space<vmem>> -> memref<80x128xf32, #tpu.memory_space<vmem>>
      tpu.wait_dma2 semaphore(%arg15 : memref<!tpu.dma_semaphore, #tpu.memory_space<semaphore_mem>>) src(%dma_wait3A_476 : memref<80x128xf32, #tpu.memory_space<vmem>>) dst(%dma_wait3A_469 : memref<80x128xf32, #tpu.memory_space<vmem_shared>>)
    } else {
    }
    %add3A_260 = arith.constant 80 : i32
    %add3A_261 = arith.addi %add3A_260, %arg1 : i32
    %lt3A_262 = arith.constant 125 : i32
    %lt3A_263 = arith.cmpi slt, %add3A_261, %lt3A_262 : i32
    %convert_element_type3A_264 = arith.extui %lt3A_263 : i1 to i32
    %cond3A_265 = arith.constant 0 : i32
    %cond3A_266 = arith.cmpi ne, %convert_element_type3A_264, %cond3A_265 : i32
    scf.if %cond3A_266 {
      %mul3A_456 = arith.constant 80 : i32
      %mul3A_457 = arith.muli %add3A_261, %mul3A_456 : i32
      %dma_wait3A_458 = arith.constant 2 : i32
      %dma_wait3A_459 = arith.constant 0 : i32
      %dma_wait3A_460 = arith.constant 0 : i32
      %dma_wait3A_461 = tpu.memref_slice %arg8[%dma_wait3A_458, %dma_wait3A_459, %dma_wait3A_460] : memref<3x128x128xf32, #tpu.memory_space<vmem>> -> memref<1x128x128xf32, #tpu.memory_space<vmem>>
      %dma_wait3A_462 = tpu.memref_squeeze %dma_wait3A_461 : memref<1x128x128xf32, #tpu.memory_space<vmem>> -> memref<128x128xf32, #tpu.memory_space<vmem>>
      %dma_wait3A_463 = arith.constant 0 : i32
      %dma_wait3A_464 = arith.constant 0 : i32
      %dma_wait3A_465 = tpu.memref_slice %dma_wait3A_462[%dma_wait3A_463, %dma_wait3A_464] : memref<128x128xf32, #tpu.memory_space<vmem>> -> memref<80x128xf32, #tpu.memory_space<vmem>>
      %dma_wait3A_466 = arith.constant 0 : i32
      %dma_wait3A_467 = tpu.memref_slice %arg6[%mul3A_457, %dma_wait3A_466] : memref<10000x128xf32, #tpu.memory_space<vmem_shared>> -> memref<80x128xf32, #tpu.memory_space<vmem_shared>>
      %dma_wait3A_468 = arith.constant 0 : i32
      %dma_wait3A_469 = tpu.memref_slice %arg6[%mul3A_457, %dma_wait3A_468] : memref<10000x128xf32, #tpu.memory_space<vmem_shared>> -> memref<80x128xf32, #tpu.memory_space<vmem_shared>>
      %dma_wait3A_470 = arith.constant 0 : i32
      %dma_wait3A_471 = arith.constant 0 : i32
      %dma_wait3A_472 = tpu.memref_slice %arg8[%dma_wait3A_458, %dma_wait3A_470, %dma_wait3A_471] : memref<3x128x128xf32, #tpu.memory_space<vmem>> -> memref<1x128x128xf32, #tpu.memory_space<vmem>>
      %dma_wait3A_473 = tpu.memref_squeeze %dma_wait3A_472 : memref<1x128x128xf32, #tpu.memory_space<vmem>> -> memref<128x128xf32, #tpu.memory_space<vmem>>
      %dma_wait3A_474 = arith.constant 0 : i32
      %dma_wait3A_475 = arith.constant 0 : i32
      %dma_wait3A_476 = tpu.memref_slice %dma_wait3A_473[%dma_wait3A_474, %dma_wait3A_475] : memref<128x128xf32, #tpu.memory_space<vmem>> -> memref<80x128xf32, #tpu.memory_space<vmem>>
      tpu.wait_dma2 semaphore(%arg15 : memref<!tpu.dma_semaphore, #tpu.memory_space<semaphore_mem>>) src(%dma_wait3A_476 : memref<80x128xf32, #tpu.memory_space<vmem>>) dst(%dma_wait3A_469 : memref<80x128xf32, #tpu.memory_space<vmem_shared>>)
    } else {
    }
    %add3A_267 = arith.constant 96 : i32
    %add3A_268 = arith.addi %add3A_267, %arg1 : i32
    %lt3A_269 = arith.constant 125 : i32
    %lt3A_270 = arith.cmpi slt, %add3A_268, %lt3A_269 : i32
    %convert_element_type3A_271 = arith.extui %lt3A_270 : i1 to i32
    %cond3A_272 = arith.constant 0 : i32
    %cond3A_273 = arith.cmpi ne, %convert_element_type3A_271, %cond3A_272 : i32
    scf.if %cond3A_273 {
      %mul3A_456 = arith.constant 80 : i32
      %mul3A_457 = arith.muli %add3A_268, %mul3A_456 : i32
      %dma_wait3A_458 = arith.constant 2 : i32
      %dma_wait3A_459 = arith.constant 0 : i32
      %dma_wait3A_460 = arith.constant 0 : i32
      %dma_wait3A_461 = tpu.memref_slice %arg8[%dma_wait3A_458, %dma_wait3A_459, %dma_wait3A_460] : memref<3x128x128xf32, #tpu.memory_space<vmem>> -> memref<1x128x128xf32, #tpu.memory_space<vmem>>
      %dma_wait3A_462 = tpu.memref_squeeze %dma_wait3A_461 : memref<1x128x128xf32, #tpu.memory_space<vmem>> -> memref<128x128xf32, #tpu.memory_space<vmem>>
      %dma_wait3A_463 = arith.constant 0 : i32
      %dma_wait3A_464 = arith.constant 0 : i32
      %dma_wait3A_465 = tpu.memref_slice %dma_wait3A_462[%dma_wait3A_463, %dma_wait3A_464] : memref<128x128xf32, #tpu.memory_space<vmem>> -> memref<80x128xf32, #tpu.memory_space<vmem>>
      %dma_wait3A_466 = arith.constant 0 : i32
      %dma_wait3A_467 = tpu.memref_slice %arg6[%mul3A_457, %dma_wait3A_466] : memref<10000x128xf32, #tpu.memory_space<vmem_shared>> -> memref<80x128xf32, #tpu.memory_space<vmem_shared>>
      %dma_wait3A_468 = arith.constant 0 : i32
      %dma_wait3A_469 = tpu.memref_slice %arg6[%mul3A_457, %dma_wait3A_468] : memref<10000x128xf32, #tpu.memory_space<vmem_shared>> -> memref<80x128xf32, #tpu.memory_space<vmem_shared>>
      %dma_wait3A_470 = arith.constant 0 : i32
      %dma_wait3A_471 = arith.constant 0 : i32
      %dma_wait3A_472 = tpu.memref_slice %arg8[%dma_wait3A_458, %dma_wait3A_470, %dma_wait3A_471] : memref<3x128x128xf32, #tpu.memory_space<vmem>> -> memref<1x128x128xf32, #tpu.memory_space<vmem>>
      %dma_wait3A_473 = tpu.memref_squeeze %dma_wait3A_472 : memref<1x128x128xf32, #tpu.memory_space<vmem>> -> memref<128x128xf32, #tpu.memory_space<vmem>>
      %dma_wait3A_474 = arith.constant 0 : i32
      %dma_wait3A_475 = arith.constant 0 : i32
      %dma_wait3A_476 = tpu.memref_slice %dma_wait3A_473[%dma_wait3A_474, %dma_wait3A_475] : memref<128x128xf32, #tpu.memory_space<vmem>> -> memref<80x128xf32, #tpu.memory_space<vmem>>
      tpu.wait_dma2 semaphore(%arg15 : memref<!tpu.dma_semaphore, #tpu.memory_space<semaphore_mem>>) src(%dma_wait3A_476 : memref<80x128xf32, #tpu.memory_space<vmem>>) dst(%dma_wait3A_469 : memref<80x128xf32, #tpu.memory_space<vmem_shared>>)
    } else {
    }
    %add3A_274 = arith.constant 112 : i32
    %add3A_275 = arith.addi %add3A_274, %arg1 : i32
    %lt3A_276 = arith.constant 125 : i32
    %lt3A_277 = arith.cmpi slt, %add3A_275, %lt3A_276 : i32
    %convert_element_type3A_278 = arith.extui %lt3A_277 : i1 to i32
    %cond3A_279 = arith.constant 0 : i32
    %cond3A_280 = arith.cmpi ne, %convert_element_type3A_278, %cond3A_279 : i32
    scf.if %cond3A_280 {
      %mul3A_456 = arith.constant 80 : i32
      %mul3A_457 = arith.muli %add3A_275, %mul3A_456 : i32
      %dma_wait3A_458 = arith.constant 2 : i32
      %dma_wait3A_459 = arith.constant 0 : i32
      %dma_wait3A_460 = arith.constant 0 : i32
      %dma_wait3A_461 = tpu.memref_slice %arg8[%dma_wait3A_458, %dma_wait3A_459, %dma_wait3A_460] : memref<3x128x128xf32, #tpu.memory_space<vmem>> -> memref<1x128x128xf32, #tpu.memory_space<vmem>>
      %dma_wait3A_462 = tpu.memref_squeeze %dma_wait3A_461 : memref<1x128x128xf32, #tpu.memory_space<vmem>> -> memref<128x128xf32, #tpu.memory_space<vmem>>
      %dma_wait3A_463 = arith.constant 0 : i32
      %dma_wait3A_464 = arith.constant 0 : i32
      %dma_wait3A_465 = tpu.memref_slice %dma_wait3A_462[%dma_wait3A_463, %dma_wait3A_464] : memref<128x128xf32, #tpu.memory_space<vmem>> -> memref<80x128xf32, #tpu.memory_space<vmem>>
      %dma_wait3A_466 = arith.constant 0 : i32
      %dma_wait3A_467 = tpu.memref_slice %arg6[%mul3A_457, %dma_wait3A_466] : memref<10000x128xf32, #tpu.memory_space<vmem_shared>> -> memref<80x128xf32, #tpu.memory_space<vmem_shared>>
      %dma_wait3A_468 = arith.constant 0 : i32
      %dma_wait3A_469 = tpu.memref_slice %arg6[%mul3A_457, %dma_wait3A_468] : memref<10000x128xf32, #tpu.memory_space<vmem_shared>> -> memref<80x128xf32, #tpu.memory_space<vmem_shared>>
      %dma_wait3A_470 = arith.constant 0 : i32
      %dma_wait3A_471 = arith.constant 0 : i32
      %dma_wait3A_472 = tpu.memref_slice %arg8[%dma_wait3A_458, %dma_wait3A_470, %dma_wait3A_471] : memref<3x128x128xf32, #tpu.memory_space<vmem>> -> memref<1x128x128xf32, #tpu.memory_space<vmem>>
      %dma_wait3A_473 = tpu.memref_squeeze %dma_wait3A_472 : memref<1x128x128xf32, #tpu.memory_space<vmem>> -> memref<128x128xf32, #tpu.memory_space<vmem>>
      %dma_wait3A_474 = arith.constant 0 : i32
      %dma_wait3A_475 = arith.constant 0 : i32
      %dma_wait3A_476 = tpu.memref_slice %dma_wait3A_473[%dma_wait3A_474, %dma_wait3A_475] : memref<128x128xf32, #tpu.memory_space<vmem>> -> memref<80x128xf32, #tpu.memory_space<vmem>>
      tpu.wait_dma2 semaphore(%arg15 : memref<!tpu.dma_semaphore, #tpu.memory_space<semaphore_mem>>) src(%dma_wait3A_476 : memref<80x128xf32, #tpu.memory_space<vmem>>) dst(%dma_wait3A_469 : memref<80x128xf32, #tpu.memory_space<vmem_shared>>)
    } else {
    }
    %barrier3A = arith.constant 0 : index
    tpu.barrier barrier_id(%barrier3A)
    %scan3A = arith.constant 0 : i32
    %scan3A_281 = arith.constant 0 : i32
    %scan3A_282 = arith.constant 26 : i32
    %scan3A_283 = arith.addi %scan3A_281, %scan3A_282 : i32
    %scan3A_284 = arith.constant 1 : i32
    scf.for %scan3A_456 = %scan3A_281 to %scan3A_283 step %scan3A_284  : i32 {
      %mul3A_457 = arith.constant 3 : i32
      %mul3A_458 = arith.muli %mul3A_457, %scan3A_456 : i32
      %dma_wait3A_459 = arith.constant 0 : i32
      %dma_wait3A_460 = arith.constant 0 : i32
      %dma_wait3A_461 = arith.constant 0 : i32
      %dma_wait3A_462 = arith.constant 0 : i32
      %dma_wait3A_463 = tpu.memref_slice %arg8[%dma_wait3A_460, %dma_wait3A_461, %dma_wait3A_462] : memref<3x128x128xf32, #tpu.memory_space<vmem>> -> memref<1x128x128xf32, #tpu.memory_space<vmem>>
      %dma_wait3A_464 = tpu.memref_squeeze %dma_wait3A_463 : memref<1x128x128xf32, #tpu.memory_space<vmem>> -> memref<128x128xf32, #tpu.memory_space<vmem>>
      %dma_wait3A_465 = arith.constant 0 : i32
      %dma_wait3A_466 = tpu.memref_slice %arg7[%dma_wait3A_459, %dma_wait3A_465] : memref<6x128xi32, #tpu.memory_space<vmem>> -> memref<1x128xi32, #tpu.memory_space<vmem>>
      %dma_wait3A_467 = tpu.memref_squeeze %dma_wait3A_466 : memref<1x128xi32, #tpu.memory_space<vmem>> -> memref<128xi32, #tpu.memory_space<vmem>>
      %dma_wait3A_468 = arith.constant 0 : i32
      %dma_wait3A_469 = arith.constant 0 : i32
      %dma_wait3A_470 = tpu.memref_slice %arg2[%dma_wait3A_468, %dma_wait3A_469] : memref<10000x128xf32, #tpu.memory_space<hbm>> -> memref<10000x128xf32, #tpu.memory_space<hbm>>
      tpu.wait_indirect_dma semaphore(%arg9 : memref<!tpu.dma_semaphore, #tpu.memory_space<semaphore_mem>>) src(%dma_wait3A_470 : memref<10000x128xf32, #tpu.memory_space<hbm>>) dst(%dma_wait3A_464 : memref<128x128xf32, #tpu.memory_space<vmem>>)
      %run_scoped3A_471 = arith.constant 0 : i32
      %run_scoped3A_472 = arith.constant 3 : i32
      "tpu.region"() ({
        %run_scoped3A_721 = tpu.sem_alloc : memref<!tpu.dma_semaphore, #tpu.memory_space<semaphore_mem>>
        %dma_start3A_722 = arith.constant 0 : i32
        %dma_start3A_723 = arith.constant 0 : i32
        %dma_start3A_724 = tpu.memref_slice %arg8[%run_scoped3A_471, %dma_start3A_722, %dma_start3A_723] : memref<3x128x128xf32, #tpu.memory_space<vmem>> -> memref<1x128x128xf32, #tpu.memory_space<vmem>>
        %dma_start3A_725 = tpu.memref_squeeze %dma_start3A_724 : memref<1x128x128xf32, #tpu.memory_space<vmem>> -> memref<128x128xf32, #tpu.memory_space<vmem>>
        %dma_start3A_726 = arith.constant 0 : i32
        %dma_start3A_727 = tpu.memref_slice %arg7[%run_scoped3A_472, %dma_start3A_726] : memref<6x128xi32, #tpu.memory_space<vmem>> -> memref<1x128xi32, #tpu.memory_space<vmem>>
        %dma_start3A_728 = tpu.memref_squeeze %dma_start3A_727 : memref<1x128xi32, #tpu.memory_space<vmem>> -> memref<128xi32, #tpu.memory_space<vmem>>
        %dma_start3A_729 = arith.constant 0 : i32
        %dma_start3A_730 = arith.constant 0 : i32
        %dma_start3A_731 = tpu.memref_slice %arg6[%dma_start3A_729, %dma_start3A_730] : memref<10000x128xf32, #tpu.memory_space<vmem_shared>> -> memref<10000x128xf32, #tpu.memory_space<vmem_shared>>
        tpu.enqueue_indirect_dma source(%dma_start3A_725 : memref<128x128xf32, #tpu.memory_space<vmem>>) target(%dma_start3A_731 : memref<10000x128xf32, #tpu.memory_space<vmem_shared>>) offsets(%dma_start3A_728 : memref<128xi32, #tpu.memory_space<vmem>>) semaphore(%run_scoped3A_721 : memref<!tpu.dma_semaphore, #tpu.memory_space<semaphore_mem>>) {add = true}
        %dma_wait3A_732 = arith.constant 0 : i32
        %dma_wait3A_733 = arith.constant 0 : i32
        %dma_wait3A_734 = tpu.memref_slice %arg8[%run_scoped3A_471, %dma_wait3A_732, %dma_wait3A_733] : memref<3x128x128xf32, #tpu.memory_space<vmem>> -> memref<1x128x128xf32, #tpu.memory_space<vmem>>
        %dma_wait3A_735 = tpu.memref_squeeze %dma_wait3A_734 : memref<1x128x128xf32, #tpu.memory_space<vmem>> -> memref<128x128xf32, #tpu.memory_space<vmem>>
        %dma_wait3A_736 = arith.constant 0 : i32
        %dma_wait3A_737 = tpu.memref_slice %arg7[%run_scoped3A_472, %dma_wait3A_736] : memref<6x128xi32, #tpu.memory_space<vmem>> -> memref<1x128xi32, #tpu.memory_space<vmem>>
        %dma_wait3A_738 = tpu.memref_squeeze %dma_wait3A_737 : memref<1x128xi32, #tpu.memory_space<vmem>> -> memref<128xi32, #tpu.memory_space<vmem>>
        %dma_wait3A_739 = arith.constant 0 : i32
        %dma_wait3A_740 = arith.constant 0 : i32
        %dma_wait3A_741 = tpu.memref_slice %arg6[%dma_wait3A_739, %dma_wait3A_740] : memref<10000x128xf32, #tpu.memory_space<vmem_shared>> -> memref<10000x128xf32, #tpu.memory_space<vmem_shared>>
        tpu.wait_indirect_dma semaphore(%run_scoped3A_721 : memref<!tpu.dma_semaphore, #tpu.memory_space<semaphore_mem>>) src(%dma_wait3A_735 : memref<128x128xf32, #tpu.memory_space<vmem>>) dst(%dma_wait3A_741 : memref<10000x128xf32, #tpu.memory_space<vmem_shared>>)
        tpu.yield
      }) : () -> ()
      %add3A_473 = arith.constant 3 : i32
      %add3A_474 = arith.addi %mul3A_458, %add3A_473 : i32
      %rem3A_475 = arith.constant 78 : i32
      %rem3A_476 = arith.remsi %add3A_474, %rem3A_475 : i32
      %add3A_477 = arith.addi %mul3A_2, %rem3A_476 : i32
      %mul3A_478 = arith.constant 128 : i32
      %mul3A_479 = arith.muli %add3A_477, %mul3A_478 : i32
      %multiple_of3A_480 = tpu.assume_multiple %mul3A_479, 128 : i32
      %dma_start3A_481 = arith.constant 0 : i32
      %dma_start3A_482 = arith.constant 0 : i32
      %dma_start3A_483 = arith.constant 0 : i32
      %dma_start3A_484 = tpu.memref_slice %arg7[%dma_start3A_482, %dma_start3A_483] : memref<6x128xi32, #tpu.memory_space<vmem>> -> memref<1x128xi32, #tpu.memory_space<vmem>>
      %dma_start3A_485 = tpu.memref_squeeze %dma_start3A_484 : memref<1x128xi32, #tpu.memory_space<vmem>> -> memref<128xi32, #tpu.memory_space<vmem>>
      %dma_start3A_486 = tpu.memref_slice %arg3[%dma_start3A_481, %multiple_of3A_480] : memref<2x320000xi32, #tpu.memory_space<hbm>> -> memref<1x128xi32, #tpu.memory_space<hbm>>
      %dma_start3A_487 = tpu.memref_squeeze %dma_start3A_486 : memref<1x128xi32, #tpu.memory_space<hbm>> -> memref<128xi32, #tpu.memory_space<hbm>>
      %dma_start3A_488 = arith.constant 0 : i32
      %dma_start3A_489 = tpu.memref_slice %arg7[%dma_start3A_482, %dma_start3A_488] : memref<6x128xi32, #tpu.memory_space<vmem>> -> memref<1x128xi32, #tpu.memory_space<vmem>>
      %dma_start3A_490 = tpu.memref_squeeze %dma_start3A_489 : memref<1x128xi32, #tpu.memory_space<vmem>> -> memref<128xi32, #tpu.memory_space<vmem>>
      %dma_start3A_491 = tpu.memref_slice %arg3[%dma_start3A_481, %multiple_of3A_480] : memref<2x320000xi32, #tpu.memory_space<hbm>> -> memref<1x128xi32, #tpu.memory_space<hbm>>
      %dma_start3A_492 = tpu.memref_squeeze %dma_start3A_491 : memref<1x128xi32, #tpu.memory_space<hbm>> -> memref<128xi32, #tpu.memory_space<hbm>>
      tpu.enqueue_dma source(%dma_start3A_492 : memref<128xi32, #tpu.memory_space<hbm>>) target(%dma_start3A_490 : memref<128xi32, #tpu.memory_space<vmem>>) target_semaphore(%arg12 : memref<!tpu.dma_semaphore, #tpu.memory_space<semaphore_mem>>)
      %dma_start3A_493 = arith.constant 1 : i32
      %dma_start3A_494 = arith.constant 3 : i32
      %dma_start3A_495 = arith.constant 0 : i32
      %dma_start3A_496 = tpu.memref_slice %arg7[%dma_start3A_494, %dma_start3A_495] : memref<6x128xi32, #tpu.memory_space<vmem>> -> memref<1x128xi32, #tpu.memory_space<vmem>>
      %dma_start3A_497 = tpu.memref_squeeze %dma_start3A_496 : memref<1x128xi32, #tpu.memory_space<vmem>> -> memref<128xi32, #tpu.memory_space<vmem>>
      %dma_start3A_498 = tpu.memref_slice %arg3[%dma_start3A_493, %multiple_of3A_480] : memref<2x320000xi32, #tpu.memory_space<hbm>> -> memref<1x128xi32, #tpu.memory_space<hbm>>
      %dma_start3A_499 = tpu.memref_squeeze %dma_start3A_498 : memref<1x128xi32, #tpu.memory_space<hbm>> -> memref<128xi32, #tpu.memory_space<hbm>>
      %dma_start3A_500 = arith.constant 0 : i32
      %dma_start3A_501 = tpu.memref_slice %arg7[%dma_start3A_494, %dma_start3A_500] : memref<6x128xi32, #tpu.memory_space<vmem>> -> memref<1x128xi32, #tpu.memory_space<vmem>>
      %dma_start3A_502 = tpu.memref_squeeze %dma_start3A_501 : memref<1x128xi32, #tpu.memory_space<vmem>> -> memref<128xi32, #tpu.memory_space<vmem>>
      %dma_start3A_503 = tpu.memref_slice %arg3[%dma_start3A_493, %multiple_of3A_480] : memref<2x320000xi32, #tpu.memory_space<hbm>> -> memref<1x128xi32, #tpu.memory_space<hbm>>
      %dma_start3A_504 = tpu.memref_squeeze %dma_start3A_503 : memref<1x128xi32, #tpu.memory_space<hbm>> -> memref<128xi32, #tpu.memory_space<hbm>>
      tpu.enqueue_dma source(%dma_start3A_504 : memref<128xi32, #tpu.memory_space<hbm>>) target(%dma_start3A_502 : memref<128xi32, #tpu.memory_space<vmem>>) target_semaphore(%arg12 : memref<!tpu.dma_semaphore, #tpu.memory_space<semaphore_mem>>)
      %dma_wait3A_505 = arith.constant 0 : i32
      %dma_wait3A_506 = arith.constant 2 : i32
      %dma_wait3A_507 = arith.constant 0 : i32
      %dma_wait3A_508 = tpu.memref_slice %arg7[%dma_wait3A_506, %dma_wait3A_507] : memref<6x128xi32, #tpu.memory_space<vmem>> -> memref<1x128xi32, #tpu.memory_space<vmem>>
      %dma_wait3A_509 = tpu.memref_squeeze %dma_wait3A_508 : memref<1x128xi32, #tpu.memory_space<vmem>> -> memref<128xi32, #tpu.memory_space<vmem>>
      %dma_wait3A_510 = arith.constant 0 : i32
      %dma_wait3A_511 = tpu.memref_slice %arg3[%dma_wait3A_505, %dma_wait3A_510] : memref<2x320000xi32, #tpu.memory_space<hbm>> -> memref<1x128xi32, #tpu.memory_space<hbm>>
      %dma_wait3A_512 = tpu.memref_squeeze %dma_wait3A_511 : memref<1x128xi32, #tpu.memory_space<hbm>> -> memref<128xi32, #tpu.memory_space<hbm>>
      %dma_wait3A_513 = arith.constant 0 : i32
      %dma_wait3A_514 = tpu.memref_slice %arg7[%dma_wait3A_506, %dma_wait3A_513] : memref<6x128xi32, #tpu.memory_space<vmem>> -> memref<1x128xi32, #tpu.memory_space<vmem>>
      %dma_wait3A_515 = tpu.memref_squeeze %dma_wait3A_514 : memref<1x128xi32, #tpu.memory_space<vmem>> -> memref<128xi32, #tpu.memory_space<vmem>>
      %dma_wait3A_516 = arith.constant 0 : i32
      %dma_wait3A_517 = tpu.memref_slice %arg3[%dma_wait3A_505, %dma_wait3A_516] : memref<2x320000xi32, #tpu.memory_space<hbm>> -> memref<1x128xi32, #tpu.memory_space<hbm>>
      %dma_wait3A_518 = tpu.memref_squeeze %dma_wait3A_517 : memref<1x128xi32, #tpu.memory_space<hbm>> -> memref<128xi32, #tpu.memory_space<hbm>>
      tpu.wait_dma2 semaphore(%arg14 : memref<!tpu.dma_semaphore, #tpu.memory_space<semaphore_mem>>) src(%dma_wait3A_518 : memref<128xi32, #tpu.memory_space<hbm>>) dst(%dma_wait3A_515 : memref<128xi32, #tpu.memory_space<vmem>>)
      %dma_wait3A_519 = arith.constant 1 : i32
      %dma_wait3A_520 = arith.constant 5 : i32
      %dma_wait3A_521 = arith.constant 0 : i32
      %dma_wait3A_522 = tpu.memref_slice %arg7[%dma_wait3A_520, %dma_wait3A_521] : memref<6x128xi32, #tpu.memory_space<vmem>> -> memref<1x128xi32, #tpu.memory_space<vmem>>
      %dma_wait3A_523 = tpu.memref_squeeze %dma_wait3A_522 : memref<1x128xi32, #tpu.memory_space<vmem>> -> memref<128xi32, #tpu.memory_space<vmem>>
      %dma_wait3A_524 = arith.constant 0 : i32
      %dma_wait3A_525 = tpu.memref_slice %arg3[%dma_wait3A_519, %dma_wait3A_524] : memref<2x320000xi32, #tpu.memory_space<hbm>> -> memref<1x128xi32, #tpu.memory_space<hbm>>
      %dma_wait3A_526 = tpu.memref_squeeze %dma_wait3A_525 : memref<1x128xi32, #tpu.memory_space<hbm>> -> memref<128xi32, #tpu.memory_space<hbm>>
      %dma_wait3A_527 = arith.constant 0 : i32
      %dma_wait3A_528 = tpu.memref_slice %arg7[%dma_wait3A_520, %dma_wait3A_527] : memref<6x128xi32, #tpu.memory_space<vmem>> -> memref<1x128xi32, #tpu.memory_space<vmem>>
      %dma_wait3A_529 = tpu.memref_squeeze %dma_wait3A_528 : memref<1x128xi32, #tpu.memory_space<vmem>> -> memref<128xi32, #tpu.memory_space<vmem>>
      %dma_wait3A_530 = arith.constant 0 : i32
      %dma_wait3A_531 = tpu.memref_slice %arg3[%dma_wait3A_519, %dma_wait3A_530] : memref<2x320000xi32, #tpu.memory_space<hbm>> -> memref<1x128xi32, #tpu.memory_space<hbm>>
      %dma_wait3A_532 = tpu.memref_squeeze %dma_wait3A_531 : memref<1x128xi32, #tpu.memory_space<hbm>> -> memref<128xi32, #tpu.memory_space<hbm>>
      tpu.wait_dma2 semaphore(%arg14 : memref<!tpu.dma_semaphore, #tpu.memory_space<semaphore_mem>>) src(%dma_wait3A_532 : memref<128xi32, #tpu.memory_space<hbm>>) dst(%dma_wait3A_529 : memref<128xi32, #tpu.memory_space<vmem>>)
      %dma_start3A_533 = arith.constant 2 : i32
      %dma_start3A_534 = arith.constant 2 : i32
      %dma_start3A_535 = arith.constant 0 : i32
      %dma_start3A_536 = arith.constant 0 : i32
      %dma_start3A_537 = tpu.memref_slice %arg8[%dma_start3A_534, %dma_start3A_535, %dma_start3A_536] : memref<3x128x128xf32, #tpu.memory_space<vmem>> -> memref<1x128x128xf32, #tpu.memory_space<vmem>>
      %dma_start3A_538 = tpu.memref_squeeze %dma_start3A_537 : memref<1x128x128xf32, #tpu.memory_space<vmem>> -> memref<128x128xf32, #tpu.memory_space<vmem>>
      %dma_start3A_539 = arith.constant 0 : i32
      %dma_start3A_540 = tpu.memref_slice %arg7[%dma_start3A_533, %dma_start3A_539] : memref<6x128xi32, #tpu.memory_space<vmem>> -> memref<1x128xi32, #tpu.memory_space<vmem>>
      %dma_start3A_541 = tpu.memref_squeeze %dma_start3A_540 : memref<1x128xi32, #tpu.memory_space<vmem>> -> memref<128xi32, #tpu.memory_space<vmem>>
      %dma_start3A_542 = arith.constant 0 : i32
      %dma_start3A_543 = arith.constant 0 : i32
      %dma_start3A_544 = tpu.memref_slice %arg2[%dma_start3A_542, %dma_start3A_543] : memref<10000x128xf32, #tpu.memory_space<hbm>> -> memref<10000x128xf32, #tpu.memory_space<hbm>>
      tpu.enqueue_indirect_dma source(%dma_start3A_544 : memref<10000x128xf32, #tpu.memory_space<hbm>>) target(%dma_start3A_538 : memref<128x128xf32, #tpu.memory_space<vmem>>) offsets(%dma_start3A_541 : memref<128xi32, #tpu.memory_space<vmem>>) semaphore(%arg11 : memref<!tpu.dma_semaphore, #tpu.memory_space<semaphore_mem>>)
      %add3A_545 = arith.constant 1 : i32
      %add3A_546 = arith.addi %mul3A_458, %add3A_545 : i32
      %dma_wait3A_547 = arith.constant 1 : i32
      %dma_wait3A_548 = arith.constant 1 : i32
      %dma_wait3A_549 = arith.constant 0 : i32
      %dma_wait3A_550 = arith.constant 0 : i32
      %dma_wait3A_551 = tpu.memref_slice %arg8[%dma_wait3A_548, %dma_wait3A_549, %dma_wait3A_550] : memref<3x128x128xf32, #tpu.memory_space<vmem>> -> memref<1x128x128xf32, #tpu.memory_space<vmem>>
      %dma_wait3A_552 = tpu.memref_squeeze %dma_wait3A_551 : memref<1x128x128xf32, #tpu.memory_space<vmem>> -> memref<128x128xf32, #tpu.memory_space<vmem>>
      %dma_wait3A_553 = arith.constant 0 : i32
      %dma_wait3A_554 = tpu.memref_slice %arg7[%dma_wait3A_547, %dma_wait3A_553] : memref<6x128xi32, #tpu.memory_space<vmem>> -> memref<1x128xi32, #tpu.memory_space<vmem>>
      %dma_wait3A_555 = tpu.memref_squeeze %dma_wait3A_554 : memref<1x128xi32, #tpu.memory_space<vmem>> -> memref<128xi32, #tpu.memory_space<vmem>>
      %dma_wait3A_556 = arith.constant 0 : i32
      %dma_wait3A_557 = arith.constant 0 : i32
      %dma_wait3A_558 = tpu.memref_slice %arg2[%dma_wait3A_556, %dma_wait3A_557] : memref<10000x128xf32, #tpu.memory_space<hbm>> -> memref<10000x128xf32, #tpu.memory_space<hbm>>
      tpu.wait_indirect_dma semaphore(%arg10 : memref<!tpu.dma_semaphore, #tpu.memory_space<semaphore_mem>>) src(%dma_wait3A_558 : memref<10000x128xf32, #tpu.memory_space<hbm>>) dst(%dma_wait3A_552 : memref<128x128xf32, #tpu.memory_space<vmem>>)
      %run_scoped3A_559 = arith.constant 1 : i32
      %run_scoped3A_560 = arith.constant 4 : i32
      "tpu.region"() ({
        %run_scoped3A_721 = tpu.sem_alloc : memref<!tpu.dma_semaphore, #tpu.memory_space<semaphore_mem>>
        %dma_start3A_722 = arith.constant 0 : i32
        %dma_start3A_723 = arith.constant 0 : i32
        %dma_start3A_724 = tpu.memref_slice %arg8[%run_scoped3A_559, %dma_start3A_722, %dma_start3A_723] : memref<3x128x128xf32, #tpu.memory_space<vmem>> -> memref<1x128x128xf32, #tpu.memory_space<vmem>>
        %dma_start3A_725 = tpu.memref_squeeze %dma_start3A_724 : memref<1x128x128xf32, #tpu.memory_space<vmem>> -> memref<128x128xf32, #tpu.memory_space<vmem>>
        %dma_start3A_726 = arith.constant 0 : i32
        %dma_start3A_727 = tpu.memref_slice %arg7[%run_scoped3A_560, %dma_start3A_726] : memref<6x128xi32, #tpu.memory_space<vmem>> -> memref<1x128xi32, #tpu.memory_space<vmem>>
        %dma_start3A_728 = tpu.memref_squeeze %dma_start3A_727 : memref<1x128xi32, #tpu.memory_space<vmem>> -> memref<128xi32, #tpu.memory_space<vmem>>
        %dma_start3A_729 = arith.constant 0 : i32
        %dma_start3A_730 = arith.constant 0 : i32
        %dma_start3A_731 = tpu.memref_slice %arg6[%dma_start3A_729, %dma_start3A_730] : memref<10000x128xf32, #tpu.memory_space<vmem_shared>> -> memref<10000x128xf32, #tpu.memory_space<vmem_shared>>
        tpu.enqueue_indirect_dma source(%dma_start3A_725 : memref<128x128xf32, #tpu.memory_space<vmem>>) target(%dma_start3A_731 : memref<10000x128xf32, #tpu.memory_space<vmem_shared>>) offsets(%dma_start3A_728 : memref<128xi32, #tpu.memory_space<vmem>>) semaphore(%run_scoped3A_721 : memref<!tpu.dma_semaphore, #tpu.memory_space<semaphore_mem>>) {add = true}
        %dma_wait3A_732 = arith.constant 0 : i32
        %dma_wait3A_733 = arith.constant 0 : i32
        %dma_wait3A_734 = tpu.memref_slice %arg8[%run_scoped3A_559, %dma_wait3A_732, %dma_wait3A_733] : memref<3x128x128xf32, #tpu.memory_space<vmem>> -> memref<1x128x128xf32, #tpu.memory_space<vmem>>
        %dma_wait3A_735 = tpu.memref_squeeze %dma_wait3A_734 : memref<1x128x128xf32, #tpu.memory_space<vmem>> -> memref<128x128xf32, #tpu.memory_space<vmem>>
        %dma_wait3A_736 = arith.constant 0 : i32
        %dma_wait3A_737 = tpu.memref_slice %arg7[%run_scoped3A_560, %dma_wait3A_736] : memref<6x128xi32, #tpu.memory_space<vmem>> -> memref<1x128xi32, #tpu.memory_space<vmem>>
        %dma_wait3A_738 = tpu.memref_squeeze %dma_wait3A_737 : memref<1x128xi32, #tpu.memory_space<vmem>> -> memref<128xi32, #tpu.memory_space<vmem>>
        %dma_wait3A_739 = arith.constant 0 : i32
        %dma_wait3A_740 = arith.constant 0 : i32
        %dma_wait3A_741 = tpu.memref_slice %arg6[%dma_wait3A_739, %dma_wait3A_740] : memref<10000x128xf32, #tpu.memory_space<vmem_shared>> -> memref<10000x128xf32, #tpu.memory_space<vmem_shared>>
        tpu.wait_indirect_dma semaphore(%run_scoped3A_721 : memref<!tpu.dma_semaphore, #tpu.memory_space<semaphore_mem>>) src(%dma_wait3A_735 : memref<128x128xf32, #tpu.memory_space<vmem>>) dst(%dma_wait3A_741 : memref<10000x128xf32, #tpu.memory_space<vmem_shared>>)
        tpu.yield
      }) : () -> ()
      %add3A_561 = arith.constant 3 : i32
      %add3A_562 = arith.addi %add3A_546, %add3A_561 : i32
      %rem3A_563 = arith.constant 78 : i32
      %rem3A_564 = arith.remsi %add3A_562, %rem3A_563 : i32
      %add3A_565 = arith.addi %mul3A_2, %rem3A_564 : i32
      %mul3A_566 = arith.constant 128 : i32
      %mul3A_567 = arith.muli %add3A_565, %mul3A_566 : i32
      %multiple_of3A_568 = tpu.assume_multiple %mul3A_567, 128 : i32
      %dma_start3A_569 = arith.constant 0 : i32
      %dma_start3A_570 = arith.constant 1 : i32
      %dma_start3A_571 = arith.constant 0 : i32
      %dma_start3A_572 = tpu.memref_slice %arg7[%dma_start3A_570, %dma_start3A_571] : memref<6x128xi32, #tpu.memory_space<vmem>> -> memref<1x128xi32, #tpu.memory_space<vmem>>
      %dma_start3A_573 = tpu.memref_squeeze %dma_start3A_572 : memref<1x128xi32, #tpu.memory_space<vmem>> -> memref<128xi32, #tpu.memory_space<vmem>>
      %dma_start3A_574 = tpu.memref_slice %arg3[%dma_start3A_569, %multiple_of3A_568] : memref<2x320000xi32, #tpu.memory_space<hbm>> -> memref<1x128xi32, #tpu.memory_space<hbm>>
      %dma_start3A_575 = tpu.memref_squeeze %dma_start3A_574 : memref<1x128xi32, #tpu.memory_space<hbm>> -> memref<128xi32, #tpu.memory_space<hbm>>
      %dma_start3A_576 = arith.constant 0 : i32
      %dma_start3A_577 = tpu.memref_slice %arg7[%dma_start3A_570, %dma_start3A_576] : memref<6x128xi32, #tpu.memory_space<vmem>> -> memref<1x128xi32, #tpu.memory_space<vmem>>
      %dma_start3A_578 = tpu.memref_squeeze %dma_start3A_577 : memref<1x128xi32, #tpu.memory_space<vmem>> -> memref<128xi32, #tpu.memory_space<vmem>>
      %dma_start3A_579 = tpu.memref_slice %arg3[%dma_start3A_569, %multiple_of3A_568] : memref<2x320000xi32, #tpu.memory_space<hbm>> -> memref<1x128xi32, #tpu.memory_space<hbm>>
      %dma_start3A_580 = tpu.memref_squeeze %dma_start3A_579 : memref<1x128xi32, #tpu.memory_space<hbm>> -> memref<128xi32, #tpu.memory_space<hbm>>
      tpu.enqueue_dma source(%dma_start3A_580 : memref<128xi32, #tpu.memory_space<hbm>>) target(%dma_start3A_578 : memref<128xi32, #tpu.memory_space<vmem>>) target_semaphore(%arg13 : memref<!tpu.dma_semaphore, #tpu.memory_space<semaphore_mem>>)
      %dma_start3A_581 = arith.constant 1 : i32
      %dma_start3A_582 = arith.constant 4 : i32
      %dma_start3A_583 = arith.constant 0 : i32
      %dma_start3A_584 = tpu.memref_slice %arg7[%dma_start3A_582, %dma_start3A_583] : memref<6x128xi32, #tpu.memory_space<vmem>> -> memref<1x128xi32, #tpu.memory_space<vmem>>
      %dma_start3A_585 = tpu.memref_squeeze %dma_start3A_584 : memref<1x128xi32, #tpu.memory_space<vmem>> -> memref<128xi32, #tpu.memory_space<vmem>>
      %dma_start3A_586 = tpu.memref_slice %arg3[%dma_start3A_581, %multiple_of3A_568] : memref<2x320000xi32, #tpu.memory_space<hbm>> -> memref<1x128xi32, #tpu.memory_space<hbm>>
      %dma_start3A_587 = tpu.memref_squeeze %dma_start3A_586 : memref<1x128xi32, #tpu.memory_space<hbm>> -> memref<128xi32, #tpu.memory_space<hbm>>
      %dma_start3A_588 = arith.constant 0 : i32
      %dma_start3A_589 = tpu.memref_slice %arg7[%dma_start3A_582, %dma_start3A_588] : memref<6x128xi32, #tpu.memory_space<vmem>> -> memref<1x128xi32, #tpu.memory_space<vmem>>
      %dma_start3A_590 = tpu.memref_squeeze %dma_start3A_589 : memref<1x128xi32, #tpu.memory_space<vmem>> -> memref<128xi32, #tpu.memory_space<vmem>>
      %dma_start3A_591 = tpu.memref_slice %arg3[%dma_start3A_581, %multiple_of3A_568] : memref<2x320000xi32, #tpu.memory_space<hbm>> -> memref<1x128xi32, #tpu.memory_space<hbm>>
      %dma_start3A_592 = tpu.memref_squeeze %dma_start3A_591 : memref<1x128xi32, #tpu.memory_space<hbm>> -> memref<128xi32, #tpu.memory_space<hbm>>
      tpu.enqueue_dma source(%dma_start3A_592 : memref<128xi32, #tpu.memory_space<hbm>>) target(%dma_start3A_590 : memref<128xi32, #tpu.memory_space<vmem>>) target_semaphore(%arg13 : memref<!tpu.dma_semaphore, #tpu.memory_space<semaphore_mem>>)
      %dma_wait3A_593 = arith.constant 0 : i32
      %dma_wait3A_594 = arith.constant 0 : i32
      %dma_wait3A_595 = arith.constant 0 : i32
      %dma_wait3A_596 = tpu.memref_slice %arg7[%dma_wait3A_594, %dma_wait3A_595] : memref<6x128xi32, #tpu.memory_space<vmem>> -> memref<1x128xi32, #tpu.memory_space<vmem>>
      %dma_wait3A_597 = tpu.memref_squeeze %dma_wait3A_596 : memref<1x128xi32, #tpu.memory_space<vmem>> -> memref<128xi32, #tpu.memory_space<vmem>>
      %dma_wait3A_598 = arith.constant 0 : i32
      %dma_wait3A_599 = tpu.memref_slice %arg3[%dma_wait3A_593, %dma_wait3A_598] : memref<2x320000xi32, #tpu.memory_space<hbm>> -> memref<1x128xi32, #tpu.memory_space<hbm>>
      %dma_wait3A_600 = tpu.memref_squeeze %dma_wait3A_599 : memref<1x128xi32, #tpu.memory_space<hbm>> -> memref<128xi32, #tpu.memory_space<hbm>>
      %dma_wait3A_601 = arith.constant 0 : i32
      %dma_wait3A_602 = tpu.memref_slice %arg7[%dma_wait3A_594, %dma_wait3A_601] : memref<6x128xi32, #tpu.memory_space<vmem>> -> memref<1x128xi32, #tpu.memory_space<vmem>>
      %dma_wait3A_603 = tpu.memref_squeeze %dma_wait3A_602 : memref<1x128xi32, #tpu.memory_space<vmem>> -> memref<128xi32, #tpu.memory_space<vmem>>
      %dma_wait3A_604 = arith.constant 0 : i32
      %dma_wait3A_605 = tpu.memref_slice %arg3[%dma_wait3A_593, %dma_wait3A_604] : memref<2x320000xi32, #tpu.memory_space<hbm>> -> memref<1x128xi32, #tpu.memory_space<hbm>>
      %dma_wait3A_606 = tpu.memref_squeeze %dma_wait3A_605 : memref<1x128xi32, #tpu.memory_space<hbm>> -> memref<128xi32, #tpu.memory_space<hbm>>
      tpu.wait_dma2 semaphore(%arg12 : memref<!tpu.dma_semaphore, #tpu.memory_space<semaphore_mem>>) src(%dma_wait3A_606 : memref<128xi32, #tpu.memory_space<hbm>>) dst(%dma_wait3A_603 : memref<128xi32, #tpu.memory_space<vmem>>)
      %dma_wait3A_607 = arith.constant 1 : i32
      %dma_wait3A_608 = arith.constant 3 : i32
      %dma_wait3A_609 = arith.constant 0 : i32
      %dma_wait3A_610 = tpu.memref_slice %arg7[%dma_wait3A_608, %dma_wait3A_609] : memref<6x128xi32, #tpu.memory_space<vmem>> -> memref<1x128xi32, #tpu.memory_space<vmem>>
      %dma_wait3A_611 = tpu.memref_squeeze %dma_wait3A_610 : memref<1x128xi32, #tpu.memory_space<vmem>> -> memref<128xi32, #tpu.memory_space<vmem>>
      %dma_wait3A_612 = arith.constant 0 : i32
      %dma_wait3A_613 = tpu.memref_slice %arg3[%dma_wait3A_607, %dma_wait3A_612] : memref<2x320000xi32, #tpu.memory_space<hbm>> -> memref<1x128xi32, #tpu.memory_space<hbm>>
      %dma_wait3A_614 = tpu.memref_squeeze %dma_wait3A_613 : memref<1x128xi32, #tpu.memory_space<hbm>> -> memref<128xi32, #tpu.memory_space<hbm>>
      %dma_wait3A_615 = arith.constant 0 : i32
      %dma_wait3A_616 = tpu.memref_slice %arg7[%dma_wait3A_608, %dma_wait3A_615] : memref<6x128xi32, #tpu.memory_space<vmem>> -> memref<1x128xi32, #tpu.memory_space<vmem>>
      %dma_wait3A_617 = tpu.memref_squeeze %dma_wait3A_616 : memref<1x128xi32, #tpu.memory_space<vmem>> -> memref<128xi32, #tpu.memory_space<vmem>>
      %dma_wait3A_618 = arith.constant 0 : i32
      %dma_wait3A_619 = tpu.memref_slice %arg3[%dma_wait3A_607, %dma_wait3A_618] : memref<2x320000xi32, #tpu.memory_space<hbm>> -> memref<1x128xi32, #tpu.memory_space<hbm>>
      %dma_wait3A_620 = tpu.memref_squeeze %dma_wait3A_619 : memref<1x128xi32, #tpu.memory_space<hbm>> -> memref<128xi32, #tpu.memory_space<hbm>>
      tpu.wait_dma2 semaphore(%arg12 : memref<!tpu.dma_semaphore, #tpu.memory_space<semaphore_mem>>) src(%dma_wait3A_620 : memref<128xi32, #tpu.memory_space<hbm>>) dst(%dma_wait3A_617 : memref<128xi32, #tpu.memory_space<vmem>>)
      %dma_start3A_621 = arith.constant 0 : i32
      %dma_start3A_622 = arith.constant 0 : i32
      %dma_start3A_623 = arith.constant 0 : i32
      %dma_start3A_624 = arith.constant 0 : i32
      %dma_start3A_625 = tpu.memref_slice %arg8[%dma_start3A_622, %dma_start3A_623, %dma_start3A_624] : memref<3x128x128xf32, #tpu.memory_space<vmem>> -> memref<1x128x128xf32, #tpu.memory_space<vmem>>
      %dma_start3A_626 = tpu.memref_squeeze %dma_start3A_625 : memref<1x128x128xf32, #tpu.memory_space<vmem>> -> memref<128x128xf32, #tpu.memory_space<vmem>>
      %dma_start3A_627 = arith.constant 0 : i32
      %dma_start3A_628 = tpu.memref_slice %arg7[%dma_start3A_621, %dma_start3A_627] : memref<6x128xi32, #tpu.memory_space<vmem>> -> memref<1x128xi32, #tpu.memory_space<vmem>>
      %dma_start3A_629 = tpu.memref_squeeze %dma_start3A_628 : memref<1x128xi32, #tpu.memory_space<vmem>> -> memref<128xi32, #tpu.memory_space<vmem>>
      %dma_start3A_630 = arith.constant 0 : i32
      %dma_start3A_631 = arith.constant 0 : i32
      %dma_start3A_632 = tpu.memref_slice %arg2[%dma_start3A_630, %dma_start3A_631] : memref<10000x128xf32, #tpu.memory_space<hbm>> -> memref<10000x128xf32, #tpu.memory_space<hbm>>
      tpu.enqueue_indirect_dma source(%dma_start3A_632 : memref<10000x128xf32, #tpu.memory_space<hbm>>) target(%dma_start3A_626 : memref<128x128xf32, #tpu.memory_space<vmem>>) offsets(%dma_start3A_629 : memref<128xi32, #tpu.memory_space<vmem>>) semaphore(%arg9 : memref<!tpu.dma_semaphore, #tpu.memory_space<semaphore_mem>>)
      %add3A_633 = arith.constant 2 : i32
      %add3A_634 = arith.addi %mul3A_458, %add3A_633 : i32
      %dma_wait3A_635 = arith.constant 2 : i32
      %dma_wait3A_636 = arith.constant 2 : i32
      %dma_wait3A_637 = arith.constant 0 : i32
      %dma_wait3A_638 = arith.constant 0 : i32
      %dma_wait3A_639 = tpu.memref_slice %arg8[%dma_wait3A_636, %dma_wait3A_637, %dma_wait3A_638] : memref<3x128x128xf32, #tpu.memory_space<vmem>> -> memref<1x128x128xf32, #tpu.memory_space<vmem>>
      %dma_wait3A_640 = tpu.memref_squeeze %dma_wait3A_639 : memref<1x128x128xf32, #tpu.memory_space<vmem>> -> memref<128x128xf32, #tpu.memory_space<vmem>>
      %dma_wait3A_641 = arith.constant 0 : i32
      %dma_wait3A_642 = tpu.memref_slice %arg7[%dma_wait3A_635, %dma_wait3A_641] : memref<6x128xi32, #tpu.memory_space<vmem>> -> memref<1x128xi32, #tpu.memory_space<vmem>>
      %dma_wait3A_643 = tpu.memref_squeeze %dma_wait3A_642 : memref<1x128xi32, #tpu.memory_space<vmem>> -> memref<128xi32, #tpu.memory_space<vmem>>
      %dma_wait3A_644 = arith.constant 0 : i32
      %dma_wait3A_645 = arith.constant 0 : i32
      %dma_wait3A_646 = tpu.memref_slice %arg2[%dma_wait3A_644, %dma_wait3A_645] : memref<10000x128xf32, #tpu.memory_space<hbm>> -> memref<10000x128xf32, #tpu.memory_space<hbm>>
      tpu.wait_indirect_dma semaphore(%arg11 : memref<!tpu.dma_semaphore, #tpu.memory_space<semaphore_mem>>) src(%dma_wait3A_646 : memref<10000x128xf32, #tpu.memory_space<hbm>>) dst(%dma_wait3A_640 : memref<128x128xf32, #tpu.memory_space<vmem>>)
      %run_scoped3A_647 = arith.constant 2 : i32
      %run_scoped3A_648 = arith.constant 5 : i32
      "tpu.region"() ({
        %run_scoped3A_721 = tpu.sem_alloc : memref<!tpu.dma_semaphore, #tpu.memory_space<semaphore_mem>>
        %dma_start3A_722 = arith.constant 0 : i32
        %dma_start3A_723 = arith.constant 0 : i32
        %dma_start3A_724 = tpu.memref_slice %arg8[%run_scoped3A_647, %dma_start3A_722, %dma_start3A_723] : memref<3x128x128xf32, #tpu.memory_space<vmem>> -> memref<1x128x128xf32, #tpu.memory_space<vmem>>
        %dma_start3A_725 = tpu.memref_squeeze %dma_start3A_724 : memref<1x128x128xf32, #tpu.memory_space<vmem>> -> memref<128x128xf32, #tpu.memory_space<vmem>>
        %dma_start3A_726 = arith.constant 0 : i32
        %dma_start3A_727 = tpu.memref_slice %arg7[%run_scoped3A_648, %dma_start3A_726] : memref<6x128xi32, #tpu.memory_space<vmem>> -> memref<1x128xi32, #tpu.memory_space<vmem>>
        %dma_start3A_728 = tpu.memref_squeeze %dma_start3A_727 : memref<1x128xi32, #tpu.memory_space<vmem>> -> memref<128xi32, #tpu.memory_space<vmem>>
        %dma_start3A_729 = arith.constant 0 : i32
        %dma_start3A_730 = arith.constant 0 : i32
        %dma_start3A_731 = tpu.memref_slice %arg6[%dma_start3A_729, %dma_start3A_730] : memref<10000x128xf32, #tpu.memory_space<vmem_shared>> -> memref<10000x128xf32, #tpu.memory_space<vmem_shared>>
        tpu.enqueue_indirect_dma source(%dma_start3A_725 : memref<128x128xf32, #tpu.memory_space<vmem>>) target(%dma_start3A_731 : memref<10000x128xf32, #tpu.memory_space<vmem_shared>>) offsets(%dma_start3A_728 : memref<128xi32, #tpu.memory_space<vmem>>) semaphore(%run_scoped3A_721 : memref<!tpu.dma_semaphore, #tpu.memory_space<semaphore_mem>>) {add = true}
        %dma_wait3A_732 = arith.constant 0 : i32
        %dma_wait3A_733 = arith.constant 0 : i32
        %dma_wait3A_734 = tpu.memref_slice %arg8[%run_scoped3A_647, %dma_wait3A_732, %dma_wait3A_733] : memref<3x128x128xf32, #tpu.memory_space<vmem>> -> memref<1x128x128xf32, #tpu.memory_space<vmem>>
        %dma_wait3A_735 = tpu.memref_squeeze %dma_wait3A_734 : memref<1x128x128xf32, #tpu.memory_space<vmem>> -> memref<128x128xf32, #tpu.memory_space<vmem>>
        %dma_wait3A_736 = arith.constant 0 : i32
        %dma_wait3A_737 = tpu.memref_slice %arg7[%run_scoped3A_648, %dma_wait3A_736] : memref<6x128xi32, #tpu.memory_space<vmem>> -> memref<1x128xi32, #tpu.memory_space<vmem>>
        %dma_wait3A_738 = tpu.memref_squeeze %dma_wait3A_737 : memref<1x128xi32, #tpu.memory_space<vmem>> -> memref<128xi32, #tpu.memory_space<vmem>>
        %dma_wait3A_739 = arith.constant 0 : i32
        %dma_wait3A_740 = arith.constant 0 : i32
        %dma_wait3A_741 = tpu.memref_slice %arg6[%dma_wait3A_739, %dma_wait3A_740] : memref<10000x128xf32, #tpu.memory_space<vmem_shared>> -> memref<10000x128xf32, #tpu.memory_space<vmem_shared>>
        tpu.wait_indirect_dma semaphore(%run_scoped3A_721 : memref<!tpu.dma_semaphore, #tpu.memory_space<semaphore_mem>>) src(%dma_wait3A_735 : memref<128x128xf32, #tpu.memory_space<vmem>>) dst(%dma_wait3A_741 : memref<10000x128xf32, #tpu.memory_space<vmem_shared>>)
        tpu.yield
      }) : () -> ()
      %add3A_649 = arith.constant 3 : i32
      %add3A_650 = arith.addi %add3A_634, %add3A_649 : i32
      %rem3A_651 = arith.constant 78 : i32
      %rem3A_652 = arith.remsi %add3A_650, %rem3A_651 : i32
      %add3A_653 = arith.addi %mul3A_2, %rem3A_652 : i32
      %mul3A_654 = arith.constant 128 : i32
      %mul3A_655 = arith.muli %add3A_653, %mul3A_654 : i32
      %multiple_of3A_656 = tpu.assume_multiple %mul3A_655, 128 : i32
      %dma_start3A_657 = arith.constant 0 : i32
      %dma_start3A_658 = arith.constant 2 : i32
      %dma_start3A_659 = arith.constant 0 : i32
      %dma_start3A_660 = tpu.memref_slice %arg7[%dma_start3A_658, %dma_start3A_659] : memref<6x128xi32, #tpu.memory_space<vmem>> -> memref<1x128xi32, #tpu.memory_space<vmem>>
      %dma_start3A_661 = tpu.memref_squeeze %dma_start3A_660 : memref<1x128xi32, #tpu.memory_space<vmem>> -> memref<128xi32, #tpu.memory_space<vmem>>
      %dma_start3A_662 = tpu.memref_slice %arg3[%dma_start3A_657, %multiple_of3A_656] : memref<2x320000xi32, #tpu.memory_space<hbm>> -> memref<1x128xi32, #tpu.memory_space<hbm>>
      %dma_start3A_663 = tpu.memref_squeeze %dma_start3A_662 : memref<1x128xi32, #tpu.memory_space<hbm>> -> memref<128xi32, #tpu.memory_space<hbm>>
      %dma_start3A_664 = arith.constant 0 : i32
      %dma_start3A_665 = tpu.memref_slice %arg7[%dma_start3A_658, %dma_start3A_664] : memref<6x128xi32, #tpu.memory_space<vmem>> -> memref<1x128xi32, #tpu.memory_space<vmem>>
      %dma_start3A_666 = tpu.memref_squeeze %dma_start3A_665 : memref<1x128xi32, #tpu.memory_space<vmem>> -> memref<128xi32, #tpu.memory_space<vmem>>
      %dma_start3A_667 = tpu.memref_slice %arg3[%dma_start3A_657, %multiple_of3A_656] : memref<2x320000xi32, #tpu.memory_space<hbm>> -> memref<1x128xi32, #tpu.memory_space<hbm>>
      %dma_start3A_668 = tpu.memref_squeeze %dma_start3A_667 : memref<1x128xi32, #tpu.memory_space<hbm>> -> memref<128xi32, #tpu.memory_space<hbm>>
      tpu.enqueue_dma source(%dma_start3A_668 : memref<128xi32, #tpu.memory_space<hbm>>) target(%dma_start3A_666 : memref<128xi32, #tpu.memory_space<vmem>>) target_semaphore(%arg14 : memref<!tpu.dma_semaphore, #tpu.memory_space<semaphore_mem>>)
      %dma_start3A_669 = arith.constant 1 : i32
      %dma_start3A_670 = arith.constant 5 : i32
      %dma_start3A_671 = arith.constant 0 : i32
      %dma_start3A_672 = tpu.memref_slice %arg7[%dma_start3A_670, %dma_start3A_671] : memref<6x128xi32, #tpu.memory_space<vmem>> -> memref<1x128xi32, #tpu.memory_space<vmem>>
      %dma_start3A_673 = tpu.memref_squeeze %dma_start3A_672 : memref<1x128xi32, #tpu.memory_space<vmem>> -> memref<128xi32, #tpu.memory_space<vmem>>
      %dma_start3A_674 = tpu.memref_slice %arg3[%dma_start3A_669, %multiple_of3A_656] : memref<2x320000xi32, #tpu.memory_space<hbm>> -> memref<1x128xi32, #tpu.memory_space<hbm>>
      %dma_start3A_675 = tpu.memref_squeeze %dma_start3A_674 : memref<1x128xi32, #tpu.memory_space<hbm>> -> memref<128xi32, #tpu.memory_space<hbm>>
      %dma_start3A_676 = arith.constant 0 : i32
      %dma_start3A_677 = tpu.memref_slice %arg7[%dma_start3A_670, %dma_start3A_676] : memref<6x128xi32, #tpu.memory_space<vmem>> -> memref<1x128xi32, #tpu.memory_space<vmem>>
      %dma_start3A_678 = tpu.memref_squeeze %dma_start3A_677 : memref<1x128xi32, #tpu.memory_space<vmem>> -> memref<128xi32, #tpu.memory_space<vmem>>
      %dma_start3A_679 = tpu.memref_slice %arg3[%dma_start3A_669, %multiple_of3A_656] : memref<2x320000xi32, #tpu.memory_space<hbm>> -> memref<1x128xi32, #tpu.memory_space<hbm>>
      %dma_start3A_680 = tpu.memref_squeeze %dma_start3A_679 : memref<1x128xi32, #tpu.memory_space<hbm>> -> memref<128xi32, #tpu.memory_space<hbm>>
      tpu.enqueue_dma source(%dma_start3A_680 : memref<128xi32, #tpu.memory_space<hbm>>) target(%dma_start3A_678 : memref<128xi32, #tpu.memory_space<vmem>>) target_semaphore(%arg14 : memref<!tpu.dma_semaphore, #tpu.memory_space<semaphore_mem>>)
      %dma_wait3A_681 = arith.constant 0 : i32
      %dma_wait3A_682 = arith.constant 1 : i32
      %dma_wait3A_683 = arith.constant 0 : i32
      %dma_wait3A_684 = tpu.memref_slice %arg7[%dma_wait3A_682, %dma_wait3A_683] : memref<6x128xi32, #tpu.memory_space<vmem>> -> memref<1x128xi32, #tpu.memory_space<vmem>>
      %dma_wait3A_685 = tpu.memref_squeeze %dma_wait3A_684 : memref<1x128xi32, #tpu.memory_space<vmem>> -> memref<128xi32, #tpu.memory_space<vmem>>
      %dma_wait3A_686 = arith.constant 0 : i32
      %dma_wait3A_687 = tpu.memref_slice %arg3[%dma_wait3A_681, %dma_wait3A_686] : memref<2x320000xi32, #tpu.memory_space<hbm>> -> memref<1x128xi32, #tpu.memory_space<hbm>>
      %dma_wait3A_688 = tpu.memref_squeeze %dma_wait3A_687 : memref<1x128xi32, #tpu.memory_space<hbm>> -> memref<128xi32, #tpu.memory_space<hbm>>
      %dma_wait3A_689 = arith.constant 0 : i32
      %dma_wait3A_690 = tpu.memref_slice %arg7[%dma_wait3A_682, %dma_wait3A_689] : memref<6x128xi32, #tpu.memory_space<vmem>> -> memref<1x128xi32, #tpu.memory_space<vmem>>
      %dma_wait3A_691 = tpu.memref_squeeze %dma_wait3A_690 : memref<1x128xi32, #tpu.memory_space<vmem>> -> memref<128xi32, #tpu.memory_space<vmem>>
      %dma_wait3A_692 = arith.constant 0 : i32
      %dma_wait3A_693 = tpu.memref_slice %arg3[%dma_wait3A_681, %dma_wait3A_692] : memref<2x320000xi32, #tpu.memory_space<hbm>> -> memref<1x128xi32, #tpu.memory_space<hbm>>
      %dma_wait3A_694 = tpu.memref_squeeze %dma_wait3A_693 : memref<1x128xi32, #tpu.memory_space<hbm>> -> memref<128xi32, #tpu.memory_space<hbm>>
      tpu.wait_dma2 semaphore(%arg13 : memref<!tpu.dma_semaphore, #tpu.memory_space<semaphore_mem>>) src(%dma_wait3A_694 : memref<128xi32, #tpu.memory_space<hbm>>) dst(%dma_wait3A_691 : memref<128xi32, #tpu.memory_space<vmem>>)
      %dma_wait3A_695 = arith.constant 1 : i32
      %dma_wait3A_696 = arith.constant 4 : i32
      %dma_wait3A_697 = arith.constant 0 : i32
      %dma_wait3A_698 = tpu.memref_slice %arg7[%dma_wait3A_696, %dma_wait3A_697] : memref<6x128xi32, #tpu.memory_space<vmem>> -> memref<1x128xi32, #tpu.memory_space<vmem>>
      %dma_wait3A_699 = tpu.memref_squeeze %dma_wait3A_698 : memref<1x128xi32, #tpu.memory_space<vmem>> -> memref<128xi32, #tpu.memory_space<vmem>>
      %dma_wait3A_700 = arith.constant 0 : i32
      %dma_wait3A_701 = tpu.memref_slice %arg3[%dma_wait3A_695, %dma_wait3A_700] : memref<2x320000xi32, #tpu.memory_space<hbm>> -> memref<1x128xi32, #tpu.memory_space<hbm>>
      %dma_wait3A_702 = tpu.memref_squeeze %dma_wait3A_701 : memref<1x128xi32, #tpu.memory_space<hbm>> -> memref<128xi32, #tpu.memory_space<hbm>>
      %dma_wait3A_703 = arith.constant 0 : i32
      %dma_wait3A_704 = tpu.memref_slice %arg7[%dma_wait3A_696, %dma_wait3A_703] : memref<6x128xi32, #tpu.memory_space<vmem>> -> memref<1x128xi32, #tpu.memory_space<vmem>>
      %dma_wait3A_705 = tpu.memref_squeeze %dma_wait3A_704 : memref<1x128xi32, #tpu.memory_space<vmem>> -> memref<128xi32, #tpu.memory_space<vmem>>
      %dma_wait3A_706 = arith.constant 0 : i32
      %dma_wait3A_707 = tpu.memref_slice %arg3[%dma_wait3A_695, %dma_wait3A_706] : memref<2x320000xi32, #tpu.memory_space<hbm>> -> memref<1x128xi32, #tpu.memory_space<hbm>>
      %dma_wait3A_708 = tpu.memref_squeeze %dma_wait3A_707 : memref<1x128xi32, #tpu.memory_space<hbm>> -> memref<128xi32, #tpu.memory_space<hbm>>
      tpu.wait_dma2 semaphore(%arg13 : memref<!tpu.dma_semaphore, #tpu.memory_space<semaphore_mem>>) src(%dma_wait3A_708 : memref<128xi32, #tpu.memory_space<hbm>>) dst(%dma_wait3A_705 : memref<128xi32, #tpu.memory_space<vmem>>)
      %dma_start3A_709 = arith.constant 1 : i32
      %dma_start3A_710 = arith.constant 1 : i32
      %dma_start3A_711 = arith.constant 0 : i32
      %dma_start3A_712 = arith.constant 0 : i32
      %dma_start3A_713 = tpu.memref_slice %arg8[%dma_start3A_710, %dma_start3A_711, %dma_start3A_712] : memref<3x128x128xf32, #tpu.memory_space<vmem>> -> memref<1x128x128xf32, #tpu.memory_space<vmem>>
      %dma_start3A_714 = tpu.memref_squeeze %dma_start3A_713 : memref<1x128x128xf32, #tpu.memory_space<vmem>> -> memref<128x128xf32, #tpu.memory_space<vmem>>
      %dma_start3A_715 = arith.constant 0 : i32
      %dma_start3A_716 = tpu.memref_slice %arg7[%dma_start3A_709, %dma_start3A_715] : memref<6x128xi32, #tpu.memory_space<vmem>> -> memref<1x128xi32, #tpu.memory_space<vmem>>
      %dma_start3A_717 = tpu.memref_squeeze %dma_start3A_716 : memref<1x128xi32, #tpu.memory_space<vmem>> -> memref<128xi32, #tpu.memory_space<vmem>>
      %dma_start3A_718 = arith.constant 0 : i32
      %dma_start3A_719 = arith.constant 0 : i32
      %dma_start3A_720 = tpu.memref_slice %arg2[%dma_start3A_718, %dma_start3A_719] : memref<10000x128xf32, #tpu.memory_space<hbm>> -> memref<10000x128xf32, #tpu.memory_space<hbm>>
      tpu.enqueue_indirect_dma source(%dma_start3A_720 : memref<10000x128xf32, #tpu.memory_space<hbm>>) target(%dma_start3A_714 : memref<128x128xf32, #tpu.memory_space<vmem>>) offsets(%dma_start3A_717 : memref<128xi32, #tpu.memory_space<vmem>>) semaphore(%arg10 : memref<!tpu.dma_semaphore, #tpu.memory_space<semaphore_mem>>)
    }
    %scan3A_285 = arith.constant 26 : i32
    %dma_wait3A_286 = arith.constant 0 : i32
    %dma_wait3A_287 = arith.constant 0 : i32
    %dma_wait3A_288 = arith.constant 0 : i32
    %dma_wait3A_289 = arith.constant 0 : i32
    %dma_wait3A_290 = tpu.memref_slice %arg8[%dma_wait3A_287, %dma_wait3A_288, %dma_wait3A_289] : memref<3x128x128xf32, #tpu.memory_space<vmem>> -> memref<1x128x128xf32, #tpu.memory_space<vmem>>
    %dma_wait3A_291 = tpu.memref_squeeze %dma_wait3A_290 : memref<1x128x128xf32, #tpu.memory_space<vmem>> -> memref<128x128xf32, #tpu.memory_space<vmem>>
    %dma_wait3A_292 = arith.constant 0 : i32
    %dma_wait3A_293 = tpu.memref_slice %arg7[%dma_wait3A_286, %dma_wait3A_292] : memref<6x128xi32, #tpu.memory_space<vmem>> -> memref<1x128xi32, #tpu.memory_space<vmem>>
    %dma_wait3A_294 = tpu.memref_squeeze %dma_wait3A_293 : memref<1x128xi32, #tpu.memory_space<vmem>> -> memref<128xi32, #tpu.memory_space<vmem>>
    %dma_wait3A_295 = arith.constant 0 : i32
    %dma_wait3A_296 = arith.constant 0 : i32
    %dma_wait3A_297 = tpu.memref_slice %arg2[%dma_wait3A_295, %dma_wait3A_296] : memref<10000x128xf32, #tpu.memory_space<hbm>> -> memref<10000x128xf32, #tpu.memory_space<hbm>>
    tpu.wait_indirect_dma semaphore(%arg9 : memref<!tpu.dma_semaphore, #tpu.memory_space<semaphore_mem>>) src(%dma_wait3A_297 : memref<10000x128xf32, #tpu.memory_space<hbm>>) dst(%dma_wait3A_291 : memref<128x128xf32, #tpu.memory_space<vmem>>)
    %dma_wait3A_298 = arith.constant 1 : i32
    %dma_wait3A_299 = arith.constant 1 : i32
    %dma_wait3A_300 = arith.constant 0 : i32
    %dma_wait3A_301 = arith.constant 0 : i32
    %dma_wait3A_302 = tpu.memref_slice %arg8[%dma_wait3A_299, %dma_wait3A_300, %dma_wait3A_301] : memref<3x128x128xf32, #tpu.memory_space<vmem>> -> memref<1x128x128xf32, #tpu.memory_space<vmem>>
    %dma_wait3A_303 = tpu.memref_squeeze %dma_wait3A_302 : memref<1x128x128xf32, #tpu.memory_space<vmem>> -> memref<128x128xf32, #tpu.memory_space<vmem>>
    %dma_wait3A_304 = arith.constant 0 : i32
    %dma_wait3A_305 = tpu.memref_slice %arg7[%dma_wait3A_298, %dma_wait3A_304] : memref<6x128xi32, #tpu.memory_space<vmem>> -> memref<1x128xi32, #tpu.memory_space<vmem>>
    %dma_wait3A_306 = tpu.memref_squeeze %dma_wait3A_305 : memref<1x128xi32, #tpu.memory_space<vmem>> -> memref<128xi32, #tpu.memory_space<vmem>>
    %dma_wait3A_307 = arith.constant 0 : i32
    %dma_wait3A_308 = arith.constant 0 : i32
    %dma_wait3A_309 = tpu.memref_slice %arg2[%dma_wait3A_307, %dma_wait3A_308] : memref<10000x128xf32, #tpu.memory_space<hbm>> -> memref<10000x128xf32, #tpu.memory_space<hbm>>
    tpu.wait_indirect_dma semaphore(%arg10 : memref<!tpu.dma_semaphore, #tpu.memory_space<semaphore_mem>>) src(%dma_wait3A_309 : memref<10000x128xf32, #tpu.memory_space<hbm>>) dst(%dma_wait3A_303 : memref<128x128xf32, #tpu.memory_space<vmem>>)
    %dma_wait3A_310 = arith.constant 0 : i32
    %dma_wait3A_311 = arith.constant 2 : i32
    %dma_wait3A_312 = arith.constant 0 : i32
    %dma_wait3A_313 = tpu.memref_slice %arg7[%dma_wait3A_311, %dma_wait3A_312] : memref<6x128xi32, #tpu.memory_space<vmem>> -> memref<1x128xi32, #tpu.memory_space<vmem>>
    %dma_wait3A_314 = tpu.memref_squeeze %dma_wait3A_313 : memref<1x128xi32, #tpu.memory_space<vmem>> -> memref<128xi32, #tpu.memory_space<vmem>>
    %dma_wait3A_315 = arith.constant 0 : i32
    %dma_wait3A_316 = tpu.memref_slice %arg3[%dma_wait3A_310, %dma_wait3A_315] : memref<2x320000xi32, #tpu.memory_space<hbm>> -> memref<1x128xi32, #tpu.memory_space<hbm>>
    %dma_wait3A_317 = tpu.memref_squeeze %dma_wait3A_316 : memref<1x128xi32, #tpu.memory_space<hbm>> -> memref<128xi32, #tpu.memory_space<hbm>>
    %dma_wait3A_318 = arith.constant 0 : i32
    %dma_wait3A_319 = tpu.memref_slice %arg7[%dma_wait3A_311, %dma_wait3A_318] : memref<6x128xi32, #tpu.memory_space<vmem>> -> memref<1x128xi32, #tpu.memory_space<vmem>>
    %dma_wait3A_320 = tpu.memref_squeeze %dma_wait3A_319 : memref<1x128xi32, #tpu.memory_space<vmem>> -> memref<128xi32, #tpu.memory_space<vmem>>
    %dma_wait3A_321 = arith.constant 0 : i32
    %dma_wait3A_322 = tpu.memref_slice %arg3[%dma_wait3A_310, %dma_wait3A_321] : memref<2x320000xi32, #tpu.memory_space<hbm>> -> memref<1x128xi32, #tpu.memory_space<hbm>>
    %dma_wait3A_323 = tpu.memref_squeeze %dma_wait3A_322 : memref<1x128xi32, #tpu.memory_space<hbm>> -> memref<128xi32, #tpu.memory_space<hbm>>
    tpu.wait_dma2 semaphore(%arg14 : memref<!tpu.dma_semaphore, #tpu.memory_space<semaphore_mem>>) src(%dma_wait3A_323 : memref<128xi32, #tpu.memory_space<hbm>>) dst(%dma_wait3A_320 : memref<128xi32, #tpu.memory_space<vmem>>)
    %dma_wait3A_324 = arith.constant 1 : i32
    %dma_wait3A_325 = arith.constant 5 : i32
    %dma_wait3A_326 = arith.constant 0 : i32
    %dma_wait3A_327 = tpu.memref_slice %arg7[%dma_wait3A_325, %dma_wait3A_326] : memref<6x128xi32, #tpu.memory_space<vmem>> -> memref<1x128xi32, #tpu.memory_space<vmem>>
    %dma_wait3A_328 = tpu.memref_squeeze %dma_wait3A_327 : memref<1x128xi32, #tpu.memory_space<vmem>> -> memref<128xi32, #tpu.memory_space<vmem>>
    %dma_wait3A_329 = arith.constant 0 : i32
    %dma_wait3A_330 = tpu.memref_slice %arg3[%dma_wait3A_324, %dma_wait3A_329] : memref<2x320000xi32, #tpu.memory_space<hbm>> -> memref<1x128xi32, #tpu.memory_space<hbm>>
    %dma_wait3A_331 = tpu.memref_squeeze %dma_wait3A_330 : memref<1x128xi32, #tpu.memory_space<hbm>> -> memref<128xi32, #tpu.memory_space<hbm>>
    %dma_wait3A_332 = arith.constant 0 : i32
    %dma_wait3A_333 = tpu.memref_slice %arg7[%dma_wait3A_325, %dma_wait3A_332] : memref<6x128xi32, #tpu.memory_space<vmem>> -> memref<1x128xi32, #tpu.memory_space<vmem>>
    %dma_wait3A_334 = tpu.memref_squeeze %dma_wait3A_333 : memref<1x128xi32, #tpu.memory_space<vmem>> -> memref<128xi32, #tpu.memory_space<vmem>>
    %dma_wait3A_335 = arith.constant 0 : i32
    %dma_wait3A_336 = tpu.memref_slice %arg3[%dma_wait3A_324, %dma_wait3A_335] : memref<2x320000xi32, #tpu.memory_space<hbm>> -> memref<1x128xi32, #tpu.memory_space<hbm>>
    %dma_wait3A_337 = tpu.memref_squeeze %dma_wait3A_336 : memref<1x128xi32, #tpu.memory_space<hbm>> -> memref<128xi32, #tpu.memory_space<hbm>>
    tpu.wait_dma2 semaphore(%arg14 : memref<!tpu.dma_semaphore, #tpu.memory_space<semaphore_mem>>) src(%dma_wait3A_337 : memref<128xi32, #tpu.memory_space<hbm>>) dst(%dma_wait3A_334 : memref<128xi32, #tpu.memory_space<vmem>>)
    %lt3A_338 = arith.constant 4 : i32
    %lt3A_339 = arith.cmpi slt, %add3A, %lt3A_338 : i32
    %convert_element_type3A_340 = arith.extui %lt3A_339 : i1 to i32
    %cond3A_341 = arith.constant 0 : i32
    %cond3A_342 = arith.cmpi ne, %convert_element_type3A_340, %cond3A_341 : i32
    scf.if %cond3A_342 {
      %add3A_456 = arith.constant 2496 : i32
      %add3A_457 = arith.addi %add3A_456, %add3A : i32
      %mul3A_458 = arith.constant 128 : i32
      %mul3A_459 = arith.muli %add3A_457, %mul3A_458 : i32
      %multiple_of3A_460 = tpu.assume_multiple %mul3A_459, 128 : i32
      %run_scoped3A_461 = arith.constant 0 : i32
      %run_scoped3A_462 = arith.constant 0 : i32
      "tpu.region"() ({
        %run_scoped3A_491 = tpu.sem_alloc : memref<!tpu.dma_semaphore, #tpu.memory_space<semaphore_mem>>
        %dma_start3A_492 = arith.constant 0 : i32
        %dma_start3A_493 = tpu.memref_slice %arg7[%run_scoped3A_462, %dma_start3A_492] : memref<6x128xi32, #tpu.memory_space<vmem>> -> memref<1x128xi32, #tpu.memory_space<vmem>>
        %dma_start3A_494 = tpu.memref_squeeze %dma_start3A_493 : memref<1x128xi32, #tpu.memory_space<vmem>> -> memref<128xi32, #tpu.memory_space<vmem>>
        %dma_start3A_495 = tpu.memref_slice %arg3[%run_scoped3A_461, %multiple_of3A_460] : memref<2x320000xi32, #tpu.memory_space<hbm>> -> memref<1x128xi32, #tpu.memory_space<hbm>>
        %dma_start3A_496 = tpu.memref_squeeze %dma_start3A_495 : memref<1x128xi32, #tpu.memory_space<hbm>> -> memref<128xi32, #tpu.memory_space<hbm>>
        %dma_start3A_497 = arith.constant 0 : i32
        %dma_start3A_498 = tpu.memref_slice %arg7[%run_scoped3A_462, %dma_start3A_497] : memref<6x128xi32, #tpu.memory_space<vmem>> -> memref<1x128xi32, #tpu.memory_space<vmem>>
        %dma_start3A_499 = tpu.memref_squeeze %dma_start3A_498 : memref<1x128xi32, #tpu.memory_space<vmem>> -> memref<128xi32, #tpu.memory_space<vmem>>
        %dma_start3A_500 = tpu.memref_slice %arg3[%run_scoped3A_461, %multiple_of3A_460] : memref<2x320000xi32, #tpu.memory_space<hbm>> -> memref<1x128xi32, #tpu.memory_space<hbm>>
        %dma_start3A_501 = tpu.memref_squeeze %dma_start3A_500 : memref<1x128xi32, #tpu.memory_space<hbm>> -> memref<128xi32, #tpu.memory_space<hbm>>
        tpu.enqueue_dma source(%dma_start3A_501 : memref<128xi32, #tpu.memory_space<hbm>>) target(%dma_start3A_499 : memref<128xi32, #tpu.memory_space<vmem>>) target_semaphore(%run_scoped3A_491 : memref<!tpu.dma_semaphore, #tpu.memory_space<semaphore_mem>>)
        %dma_wait3A_502 = arith.constant 0 : i32
        %dma_wait3A_503 = tpu.memref_slice %arg7[%run_scoped3A_462, %dma_wait3A_502] : memref<6x128xi32, #tpu.memory_space<vmem>> -> memref<1x128xi32, #tpu.memory_space<vmem>>
        %dma_wait3A_504 = tpu.memref_squeeze %dma_wait3A_503 : memref<1x128xi32, #tpu.memory_space<vmem>> -> memref<128xi32, #tpu.memory_space<vmem>>
        %dma_wait3A_505 = tpu.memref_slice %arg3[%run_scoped3A_461, %multiple_of3A_460] : memref<2x320000xi32, #tpu.memory_space<hbm>> -> memref<1x128xi32, #tpu.memory_space<hbm>>
        %dma_wait3A_506 = tpu.memref_squeeze %dma_wait3A_505 : memref<1x128xi32, #tpu.memory_space<hbm>> -> memref<128xi32, #tpu.memory_space<hbm>>
        %dma_wait3A_507 = arith.constant 0 : i32
        %dma_wait3A_508 = tpu.memref_slice %arg7[%run_scoped3A_462, %dma_wait3A_507] : memref<6x128xi32, #tpu.memory_space<vmem>> -> memref<1x128xi32, #tpu.memory_space<vmem>>
        %dma_wait3A_509 = tpu.memref_squeeze %dma_wait3A_508 : memref<1x128xi32, #tpu.memory_space<vmem>> -> memref<128xi32, #tpu.memory_space<vmem>>
        %dma_wait3A_510 = tpu.memref_slice %arg3[%run_scoped3A_461, %multiple_of3A_460] : memref<2x320000xi32, #tpu.memory_space<hbm>> -> memref<1x128xi32, #tpu.memory_space<hbm>>
        %dma_wait3A_511 = tpu.memref_squeeze %dma_wait3A_510 : memref<1x128xi32, #tpu.memory_space<hbm>> -> memref<128xi32, #tpu.memory_space<hbm>>
        tpu.wait_dma2 semaphore(%run_scoped3A_491 : memref<!tpu.dma_semaphore, #tpu.memory_space<semaphore_mem>>) src(%dma_wait3A_511 : memref<128xi32, #tpu.memory_space<hbm>>) dst(%dma_wait3A_509 : memref<128xi32, #tpu.memory_space<vmem>>)
        tpu.yield
      }) : () -> ()
      %run_scoped3A_463 = arith.constant 1 : i32
      %run_scoped3A_464 = arith.constant 3 : i32
      "tpu.region"() ({
        %run_scoped3A_491 = tpu.sem_alloc : memref<!tpu.dma_semaphore, #tpu.memory_space<semaphore_mem>>
        %dma_start3A_492 = arith.constant 0 : i32
        %dma_start3A_493 = tpu.memref_slice %arg7[%run_scoped3A_464, %dma_start3A_492] : memref<6x128xi32, #tpu.memory_space<vmem>> -> memref<1x128xi32, #tpu.memory_space<vmem>>
        %dma_start3A_494 = tpu.memref_squeeze %dma_start3A_493 : memref<1x128xi32, #tpu.memory_space<vmem>> -> memref<128xi32, #tpu.memory_space<vmem>>
        %dma_start3A_495 = tpu.memref_slice %arg3[%run_scoped3A_463, %multiple_of3A_460] : memref<2x320000xi32, #tpu.memory_space<hbm>> -> memref<1x128xi32, #tpu.memory_space<hbm>>
        %dma_start3A_496 = tpu.memref_squeeze %dma_start3A_495 : memref<1x128xi32, #tpu.memory_space<hbm>> -> memref<128xi32, #tpu.memory_space<hbm>>
        %dma_start3A_497 = arith.constant 0 : i32
        %dma_start3A_498 = tpu.memref_slice %arg7[%run_scoped3A_464, %dma_start3A_497] : memref<6x128xi32, #tpu.memory_space<vmem>> -> memref<1x128xi32, #tpu.memory_space<vmem>>
        %dma_start3A_499 = tpu.memref_squeeze %dma_start3A_498 : memref<1x128xi32, #tpu.memory_space<vmem>> -> memref<128xi32, #tpu.memory_space<vmem>>
        %dma_start3A_500 = tpu.memref_slice %arg3[%run_scoped3A_463, %multiple_of3A_460] : memref<2x320000xi32, #tpu.memory_space<hbm>> -> memref<1x128xi32, #tpu.memory_space<hbm>>
        %dma_start3A_501 = tpu.memref_squeeze %dma_start3A_500 : memref<1x128xi32, #tpu.memory_space<hbm>> -> memref<128xi32, #tpu.memory_space<hbm>>
        tpu.enqueue_dma source(%dma_start3A_501 : memref<128xi32, #tpu.memory_space<hbm>>) target(%dma_start3A_499 : memref<128xi32, #tpu.memory_space<vmem>>) target_semaphore(%run_scoped3A_491 : memref<!tpu.dma_semaphore, #tpu.memory_space<semaphore_mem>>)
        %dma_wait3A_502 = arith.constant 0 : i32
        %dma_wait3A_503 = tpu.memref_slice %arg7[%run_scoped3A_464, %dma_wait3A_502] : memref<6x128xi32, #tpu.memory_space<vmem>> -> memref<1x128xi32, #tpu.memory_space<vmem>>
        %dma_wait3A_504 = tpu.memref_squeeze %dma_wait3A_503 : memref<1x128xi32, #tpu.memory_space<vmem>> -> memref<128xi32, #tpu.memory_space<vmem>>
        %dma_wait3A_505 = tpu.memref_slice %arg3[%run_scoped3A_463, %multiple_of3A_460] : memref<2x320000xi32, #tpu.memory_space<hbm>> -> memref<1x128xi32, #tpu.memory_space<hbm>>
        %dma_wait3A_506 = tpu.memref_squeeze %dma_wait3A_505 : memref<1x128xi32, #tpu.memory_space<hbm>> -> memref<128xi32, #tpu.memory_space<hbm>>
        %dma_wait3A_507 = arith.constant 0 : i32
        %dma_wait3A_508 = tpu.memref_slice %arg7[%run_scoped3A_464, %dma_wait3A_507] : memref<6x128xi32, #tpu.memory_space<vmem>> -> memref<1x128xi32, #tpu.memory_space<vmem>>
        %dma_wait3A_509 = tpu.memref_squeeze %dma_wait3A_508 : memref<1x128xi32, #tpu.memory_space<vmem>> -> memref<128xi32, #tpu.memory_space<vmem>>
        %dma_wait3A_510 = tpu.memref_slice %arg3[%run_scoped3A_463, %multiple_of3A_460] : memref<2x320000xi32, #tpu.memory_space<hbm>> -> memref<1x128xi32, #tpu.memory_space<hbm>>
        %dma_wait3A_511 = tpu.memref_squeeze %dma_wait3A_510 : memref<1x128xi32, #tpu.memory_space<hbm>> -> memref<128xi32, #tpu.memory_space<hbm>>
        tpu.wait_dma2 semaphore(%run_scoped3A_491 : memref<!tpu.dma_semaphore, #tpu.memory_space<semaphore_mem>>) src(%dma_wait3A_511 : memref<128xi32, #tpu.memory_space<hbm>>) dst(%dma_wait3A_509 : memref<128xi32, #tpu.memory_space<vmem>>)
        tpu.yield
      }) : () -> ()
      %dma_start3A_465 = arith.constant 0 : i32
      %dma_start3A_466 = arith.constant 0 : i32
      %dma_start3A_467 = arith.constant 0 : i32
      %dma_start3A_468 = arith.constant 0 : i32
      %dma_start3A_469 = tpu.memref_slice %arg8[%dma_start3A_466, %dma_start3A_467, %dma_start3A_468] : memref<3x128x128xf32, #tpu.memory_space<vmem>> -> memref<1x128x128xf32, #tpu.memory_space<vmem>>
      %dma_start3A_470 = tpu.memref_squeeze %dma_start3A_469 : memref<1x128x128xf32, #tpu.memory_space<vmem>> -> memref<128x128xf32, #tpu.memory_space<vmem>>
      %dma_start3A_471 = arith.constant 0 : i32
      %dma_start3A_472 = tpu.memref_slice %arg7[%dma_start3A_465, %dma_start3A_471] : memref<6x128xi32, #tpu.memory_space<vmem>> -> memref<1x128xi32, #tpu.memory_space<vmem>>
      %dma_start3A_473 = tpu.memref_squeeze %dma_start3A_472 : memref<1x128xi32, #tpu.memory_space<vmem>> -> memref<128xi32, #tpu.memory_space<vmem>>
      %dma_start3A_474 = arith.constant 0 : i32
      %dma_start3A_475 = arith.constant 0 : i32
      %dma_start3A_476 = tpu.memref_slice %arg2[%dma_start3A_474, %dma_start3A_475] : memref<10000x128xf32, #tpu.memory_space<hbm>> -> memref<10000x128xf32, #tpu.memory_space<hbm>>
      tpu.enqueue_indirect_dma source(%dma_start3A_476 : memref<10000x128xf32, #tpu.memory_space<hbm>>) target(%dma_start3A_470 : memref<128x128xf32, #tpu.memory_space<vmem>>) offsets(%dma_start3A_473 : memref<128xi32, #tpu.memory_space<vmem>>) semaphore(%arg9 : memref<!tpu.dma_semaphore, #tpu.memory_space<semaphore_mem>>)
      %dma_wait3A_477 = arith.constant 0 : i32
      %dma_wait3A_478 = arith.constant 0 : i32
      %dma_wait3A_479 = arith.constant 0 : i32
      %dma_wait3A_480 = arith.constant 0 : i32
      %dma_wait3A_481 = tpu.memref_slice %arg8[%dma_wait3A_478, %dma_wait3A_479, %dma_wait3A_480] : memref<3x128x128xf32, #tpu.memory_space<vmem>> -> memref<1x128x128xf32, #tpu.memory_space<vmem>>
      %dma_wait3A_482 = tpu.memref_squeeze %dma_wait3A_481 : memref<1x128x128xf32, #tpu.memory_space<vmem>> -> memref<128x128xf32, #tpu.memory_space<vmem>>
      %dma_wait3A_483 = arith.constant 0 : i32
      %dma_wait3A_484 = tpu.memref_slice %arg7[%dma_wait3A_477, %dma_wait3A_483] : memref<6x128xi32, #tpu.memory_space<vmem>> -> memref<1x128xi32, #tpu.memory_space<vmem>>
      %dma_wait3A_485 = tpu.memref_squeeze %dma_wait3A_484 : memref<1x128xi32, #tpu.memory_space<vmem>> -> memref<128xi32, #tpu.memory_space<vmem>>
      %dma_wait3A_486 = arith.constant 0 : i32
      %dma_wait3A_487 = arith.constant 0 : i32
      %dma_wait3A_488 = tpu.memref_slice %arg2[%dma_wait3A_486, %dma_wait3A_487] : memref<10000x128xf32, #tpu.memory_space<hbm>> -> memref<10000x128xf32, #tpu.memory_space<hbm>>
      tpu.wait_indirect_dma semaphore(%arg9 : memref<!tpu.dma_semaphore, #tpu.memory_space<semaphore_mem>>) src(%dma_wait3A_488 : memref<10000x128xf32, #tpu.memory_space<hbm>>) dst(%dma_wait3A_482 : memref<128x128xf32, #tpu.memory_space<vmem>>)
      %run_scoped3A_489 = arith.constant 0 : i32
      %run_scoped3A_490 = arith.constant 3 : i32
      "tpu.region"() ({
        %run_scoped3A_491 = tpu.sem_alloc : memref<!tpu.dma_semaphore, #tpu.memory_space<semaphore_mem>>
        %dma_start3A_492 = arith.constant 0 : i32
        %dma_start3A_493 = arith.constant 0 : i32
        %dma_start3A_494 = tpu.memref_slice %arg8[%run_scoped3A_489, %dma_start3A_492, %dma_start3A_493] : memref<3x128x128xf32, #tpu.memory_space<vmem>> -> memref<1x128x128xf32, #tpu.memory_space<vmem>>
        %dma_start3A_495 = tpu.memref_squeeze %dma_start3A_494 : memref<1x128x128xf32, #tpu.memory_space<vmem>> -> memref<128x128xf32, #tpu.memory_space<vmem>>
        %dma_start3A_496 = arith.constant 0 : i32
        %dma_start3A_497 = tpu.memref_slice %arg7[%run_scoped3A_490, %dma_start3A_496] : memref<6x128xi32, #tpu.memory_space<vmem>> -> memref<1x128xi32, #tpu.memory_space<vmem>>
        %dma_start3A_498 = tpu.memref_squeeze %dma_start3A_497 : memref<1x128xi32, #tpu.memory_space<vmem>> -> memref<128xi32, #tpu.memory_space<vmem>>
        %dma_start3A_499 = arith.constant 0 : i32
        %dma_start3A_500 = arith.constant 0 : i32
        %dma_start3A_501 = tpu.memref_slice %arg6[%dma_start3A_499, %dma_start3A_500] : memref<10000x128xf32, #tpu.memory_space<vmem_shared>> -> memref<10000x128xf32, #tpu.memory_space<vmem_shared>>
        tpu.enqueue_indirect_dma source(%dma_start3A_495 : memref<128x128xf32, #tpu.memory_space<vmem>>) target(%dma_start3A_501 : memref<10000x128xf32, #tpu.memory_space<vmem_shared>>) offsets(%dma_start3A_498 : memref<128xi32, #tpu.memory_space<vmem>>) semaphore(%run_scoped3A_491 : memref<!tpu.dma_semaphore, #tpu.memory_space<semaphore_mem>>) {add = true}
        %dma_wait3A_502 = arith.constant 0 : i32
        %dma_wait3A_503 = arith.constant 0 : i32
        %dma_wait3A_504 = tpu.memref_slice %arg8[%run_scoped3A_489, %dma_wait3A_502, %dma_wait3A_503] : memref<3x128x128xf32, #tpu.memory_space<vmem>> -> memref<1x128x128xf32, #tpu.memory_space<vmem>>
        %dma_wait3A_505 = tpu.memref_squeeze %dma_wait3A_504 : memref<1x128x128xf32, #tpu.memory_space<vmem>> -> memref<128x128xf32, #tpu.memory_space<vmem>>
        %dma_wait3A_506 = arith.constant 0 : i32
        %dma_wait3A_507 = tpu.memref_slice %arg7[%run_scoped3A_490, %dma_wait3A_506] : memref<6x128xi32, #tpu.memory_space<vmem>> -> memref<1x128xi32, #tpu.memory_space<vmem>>
        %dma_wait3A_508 = tpu.memref_squeeze %dma_wait3A_507 : memref<1x128xi32, #tpu.memory_space<vmem>> -> memref<128xi32, #tpu.memory_space<vmem>>
        %dma_wait3A_509 = arith.constant 0 : i32
        %dma_wait3A_510 = arith.constant 0 : i32
        %dma_wait3A_511 = tpu.memref_slice %arg6[%dma_wait3A_509, %dma_wait3A_510] : memref<10000x128xf32, #tpu.memory_space<vmem_shared>> -> memref<10000x128xf32, #tpu.memory_space<vmem_shared>>
        tpu.wait_indirect_dma semaphore(%run_scoped3A_491 : memref<!tpu.dma_semaphore, #tpu.memory_space<semaphore_mem>>) src(%dma_wait3A_505 : memref<128x128xf32, #tpu.memory_space<vmem>>) dst(%dma_wait3A_511 : memref<10000x128xf32, #tpu.memory_space<vmem_shared>>)
        tpu.yield
      }) : () -> ()
    } else {
    }
    %barrier3A_343 = arith.constant 0 : index
    tpu.barrier barrier_id(%barrier3A_343)
    %add3A_344 = arith.constant 0 : i32
    %add3A_345 = arith.addi %add3A_344, %arg1 : i32
    %lt3A_346 = arith.constant 125 : i32
    %lt3A_347 = arith.cmpi slt, %add3A_345, %lt3A_346 : i32
    %convert_element_type3A_348 = arith.extui %lt3A_347 : i1 to i32
    %cond3A_349 = arith.constant 0 : i32
    %cond3A_350 = arith.cmpi ne, %convert_element_type3A_348, %cond3A_349 : i32
    scf.if %cond3A_350 {
      %mul3A_456 = arith.constant 80 : i32
      %mul3A_457 = arith.muli %add3A_345, %mul3A_456 : i32
      %mul3A_458 = arith.constant 10000 : i32
      %mul3A_459 = arith.muli %arg0, %mul3A_458 : i32
      %mul3A_460 = arith.constant 80 : i32
      %mul3A_461 = arith.muli %add3A_345, %mul3A_460 : i32
      %add3A_462 = arith.addi %mul3A_459, %mul3A_461 : i32
      %dma_start3A_463 = arith.constant 0 : i32
      %dma_start3A_464 = tpu.memref_slice %arg5[%add3A_462, %dma_start3A_463] : memref<20000x128xf32, #tpu.memory_space<hbm>> -> memref<80x128xf32, #tpu.memory_space<hbm>>
      %dma_start3A_465 = arith.constant 0 : i32
      %dma_start3A_466 = tpu.memref_slice %arg6[%mul3A_457, %dma_start3A_465] : memref<10000x128xf32, #tpu.memory_space<vmem_shared>> -> memref<80x128xf32, #tpu.memory_space<vmem_shared>>
      tpu.enqueue_dma source(%dma_start3A_466 : memref<80x128xf32, #tpu.memory_space<vmem_shared>>) target(%dma_start3A_464 : memref<80x128xf32, #tpu.memory_space<hbm>>) target_semaphore(%arg15 : memref<!tpu.dma_semaphore, #tpu.memory_space<semaphore_mem>>)
    } else {
    }
    %add3A_351 = arith.constant 16 : i32
    %add3A_352 = arith.addi %add3A_351, %arg1 : i32
    %lt3A_353 = arith.constant 125 : i32
    %lt3A_354 = arith.cmpi slt, %add3A_352, %lt3A_353 : i32
    %convert_element_type3A_355 = arith.extui %lt3A_354 : i1 to i32
    %cond3A_356 = arith.constant 0 : i32
    %cond3A_357 = arith.cmpi ne, %convert_element_type3A_355, %cond3A_356 : i32
    scf.if %cond3A_357 {
      %mul3A_456 = arith.constant 80 : i32
      %mul3A_457 = arith.muli %add3A_352, %mul3A_456 : i32
      %mul3A_458 = arith.constant 10000 : i32
      %mul3A_459 = arith.muli %arg0, %mul3A_458 : i32
      %mul3A_460 = arith.constant 80 : i32
      %mul3A_461 = arith.muli %add3A_352, %mul3A_460 : i32
      %add3A_462 = arith.addi %mul3A_459, %mul3A_461 : i32
      %dma_start3A_463 = arith.constant 0 : i32
      %dma_start3A_464 = tpu.memref_slice %arg5[%add3A_462, %dma_start3A_463] : memref<20000x128xf32, #tpu.memory_space<hbm>> -> memref<80x128xf32, #tpu.memory_space<hbm>>
      %dma_start3A_465 = arith.constant 0 : i32
      %dma_start3A_466 = tpu.memref_slice %arg6[%mul3A_457, %dma_start3A_465] : memref<10000x128xf32, #tpu.memory_space<vmem_shared>> -> memref<80x128xf32, #tpu.memory_space<vmem_shared>>
      tpu.enqueue_dma source(%dma_start3A_466 : memref<80x128xf32, #tpu.memory_space<vmem_shared>>) target(%dma_start3A_464 : memref<80x128xf32, #tpu.memory_space<hbm>>) target_semaphore(%arg15 : memref<!tpu.dma_semaphore, #tpu.memory_space<semaphore_mem>>)
    } else {
    }
    %add3A_358 = arith.constant 32 : i32
    %add3A_359 = arith.addi %add3A_358, %arg1 : i32
    %lt3A_360 = arith.constant 125 : i32
    %lt3A_361 = arith.cmpi slt, %add3A_359, %lt3A_360 : i32
    %convert_element_type3A_362 = arith.extui %lt3A_361 : i1 to i32
    %cond3A_363 = arith.constant 0 : i32
    %cond3A_364 = arith.cmpi ne, %convert_element_type3A_362, %cond3A_363 : i32
    scf.if %cond3A_364 {
      %mul3A_456 = arith.constant 80 : i32
      %mul3A_457 = arith.muli %add3A_359, %mul3A_456 : i32
      %mul3A_458 = arith.constant 10000 : i32
      %mul3A_459 = arith.muli %arg0, %mul3A_458 : i32
      %mul3A_460 = arith.constant 80 : i32
      %mul3A_461 = arith.muli %add3A_359, %mul3A_460 : i32
      %add3A_462 = arith.addi %mul3A_459, %mul3A_461 : i32
      %dma_start3A_463 = arith.constant 0 : i32
      %dma_start3A_464 = tpu.memref_slice %arg5[%add3A_462, %dma_start3A_463] : memref<20000x128xf32, #tpu.memory_space<hbm>> -> memref<80x128xf32, #tpu.memory_space<hbm>>
      %dma_start3A_465 = arith.constant 0 : i32
      %dma_start3A_466 = tpu.memref_slice %arg6[%mul3A_457, %dma_start3A_465] : memref<10000x128xf32, #tpu.memory_space<vmem_shared>> -> memref<80x128xf32, #tpu.memory_space<vmem_shared>>
      tpu.enqueue_dma source(%dma_start3A_466 : memref<80x128xf32, #tpu.memory_space<vmem_shared>>) target(%dma_start3A_464 : memref<80x128xf32, #tpu.memory_space<hbm>>) target_semaphore(%arg15 : memref<!tpu.dma_semaphore, #tpu.memory_space<semaphore_mem>>)
    } else {
    }
    %add3A_365 = arith.constant 48 : i32
    %add3A_366 = arith.addi %add3A_365, %arg1 : i32
    %lt3A_367 = arith.constant 125 : i32
    %lt3A_368 = arith.cmpi slt, %add3A_366, %lt3A_367 : i32
    %convert_element_type3A_369 = arith.extui %lt3A_368 : i1 to i32
    %cond3A_370 = arith.constant 0 : i32
    %cond3A_371 = arith.cmpi ne, %convert_element_type3A_369, %cond3A_370 : i32
    scf.if %cond3A_371 {
      %mul3A_456 = arith.constant 80 : i32
      %mul3A_457 = arith.muli %add3A_366, %mul3A_456 : i32
      %mul3A_458 = arith.constant 10000 : i32
      %mul3A_459 = arith.muli %arg0, %mul3A_458 : i32
      %mul3A_460 = arith.constant 80 : i32
      %mul3A_461 = arith.muli %add3A_366, %mul3A_460 : i32
      %add3A_462 = arith.addi %mul3A_459, %mul3A_461 : i32
      %dma_start3A_463 = arith.constant 0 : i32
      %dma_start3A_464 = tpu.memref_slice %arg5[%add3A_462, %dma_start3A_463] : memref<20000x128xf32, #tpu.memory_space<hbm>> -> memref<80x128xf32, #tpu.memory_space<hbm>>
      %dma_start3A_465 = arith.constant 0 : i32
      %dma_start3A_466 = tpu.memref_slice %arg6[%mul3A_457, %dma_start3A_465] : memref<10000x128xf32, #tpu.memory_space<vmem_shared>> -> memref<80x128xf32, #tpu.memory_space<vmem_shared>>
      tpu.enqueue_dma source(%dma_start3A_466 : memref<80x128xf32, #tpu.memory_space<vmem_shared>>) target(%dma_start3A_464 : memref<80x128xf32, #tpu.memory_space<hbm>>) target_semaphore(%arg15 : memref<!tpu.dma_semaphore, #tpu.memory_space<semaphore_mem>>)
    } else {
    }
    %add3A_372 = arith.constant 64 : i32
    %add3A_373 = arith.addi %add3A_372, %arg1 : i32
    %lt3A_374 = arith.constant 125 : i32
    %lt3A_375 = arith.cmpi slt, %add3A_373, %lt3A_374 : i32
    %convert_element_type3A_376 = arith.extui %lt3A_375 : i1 to i32
    %cond3A_377 = arith.constant 0 : i32
    %cond3A_378 = arith.cmpi ne, %convert_element_type3A_376, %cond3A_377 : i32
    scf.if %cond3A_378 {
      %mul3A_456 = arith.constant 80 : i32
      %mul3A_457 = arith.muli %add3A_373, %mul3A_456 : i32
      %mul3A_458 = arith.constant 10000 : i32
      %mul3A_459 = arith.muli %arg0, %mul3A_458 : i32
      %mul3A_460 = arith.constant 80 : i32
      %mul3A_461 = arith.muli %add3A_373, %mul3A_460 : i32
      %add3A_462 = arith.addi %mul3A_459, %mul3A_461 : i32
      %dma_start3A_463 = arith.constant 0 : i32
      %dma_start3A_464 = tpu.memref_slice %arg5[%add3A_462, %dma_start3A_463] : memref<20000x128xf32, #tpu.memory_space<hbm>> -> memref<80x128xf32, #tpu.memory_space<hbm>>
      %dma_start3A_465 = arith.constant 0 : i32
      %dma_start3A_466 = tpu.memref_slice %arg6[%mul3A_457, %dma_start3A_465] : memref<10000x128xf32, #tpu.memory_space<vmem_shared>> -> memref<80x128xf32, #tpu.memory_space<vmem_shared>>
      tpu.enqueue_dma source(%dma_start3A_466 : memref<80x128xf32, #tpu.memory_space<vmem_shared>>) target(%dma_start3A_464 : memref<80x128xf32, #tpu.memory_space<hbm>>) target_semaphore(%arg15 : memref<!tpu.dma_semaphore, #tpu.memory_space<semaphore_mem>>)
    } else {
    }
    %add3A_379 = arith.constant 80 : i32
    %add3A_380 = arith.addi %add3A_379, %arg1 : i32
    %lt3A_381 = arith.constant 125 : i32
    %lt3A_382 = arith.cmpi slt, %add3A_380, %lt3A_381 : i32
    %convert_element_type3A_383 = arith.extui %lt3A_382 : i1 to i32
    %cond3A_384 = arith.constant 0 : i32
    %cond3A_385 = arith.cmpi ne, %convert_element_type3A_383, %cond3A_384 : i32
    scf.if %cond3A_385 {
      %mul3A_456 = arith.constant 80 : i32
      %mul3A_457 = arith.muli %add3A_380, %mul3A_456 : i32
      %mul3A_458 = arith.constant 10000 : i32
      %mul3A_459 = arith.muli %arg0, %mul3A_458 : i32
      %mul3A_460 = arith.constant 80 : i32
      %mul3A_461 = arith.muli %add3A_380, %mul3A_460 : i32
      %add3A_462 = arith.addi %mul3A_459, %mul3A_461 : i32
      %dma_start3A_463 = arith.constant 0 : i32
      %dma_start3A_464 = tpu.memref_slice %arg5[%add3A_462, %dma_start3A_463] : memref<20000x128xf32, #tpu.memory_space<hbm>> -> memref<80x128xf32, #tpu.memory_space<hbm>>
      %dma_start3A_465 = arith.constant 0 : i32
      %dma_start3A_466 = tpu.memref_slice %arg6[%mul3A_457, %dma_start3A_465] : memref<10000x128xf32, #tpu.memory_space<vmem_shared>> -> memref<80x128xf32, #tpu.memory_space<vmem_shared>>
      tpu.enqueue_dma source(%dma_start3A_466 : memref<80x128xf32, #tpu.memory_space<vmem_shared>>) target(%dma_start3A_464 : memref<80x128xf32, #tpu.memory_space<hbm>>) target_semaphore(%arg15 : memref<!tpu.dma_semaphore, #tpu.memory_space<semaphore_mem>>)
    } else {
    }
    %add3A_386 = arith.constant 96 : i32
    %add3A_387 = arith.addi %add3A_386, %arg1 : i32
    %lt3A_388 = arith.constant 125 : i32
    %lt3A_389 = arith.cmpi slt, %add3A_387, %lt3A_388 : i32
    %convert_element_type3A_390 = arith.extui %lt3A_389 : i1 to i32
    %cond3A_391 = arith.constant 0 : i32
    %cond3A_392 = arith.cmpi ne, %convert_element_type3A_390, %cond3A_391 : i32
    scf.if %cond3A_392 {
      %mul3A_456 = arith.constant 80 : i32
      %mul3A_457 = arith.muli %add3A_387, %mul3A_456 : i32
      %mul3A_458 = arith.constant 10000 : i32
      %mul3A_459 = arith.muli %arg0, %mul3A_458 : i32
      %mul3A_460 = arith.constant 80 : i32
      %mul3A_461 = arith.muli %add3A_387, %mul3A_460 : i32
      %add3A_462 = arith.addi %mul3A_459, %mul3A_461 : i32
      %dma_start3A_463 = arith.constant 0 : i32
      %dma_start3A_464 = tpu.memref_slice %arg5[%add3A_462, %dma_start3A_463] : memref<20000x128xf32, #tpu.memory_space<hbm>> -> memref<80x128xf32, #tpu.memory_space<hbm>>
      %dma_start3A_465 = arith.constant 0 : i32
      %dma_start3A_466 = tpu.memref_slice %arg6[%mul3A_457, %dma_start3A_465] : memref<10000x128xf32, #tpu.memory_space<vmem_shared>> -> memref<80x128xf32, #tpu.memory_space<vmem_shared>>
      tpu.enqueue_dma source(%dma_start3A_466 : memref<80x128xf32, #tpu.memory_space<vmem_shared>>) target(%dma_start3A_464 : memref<80x128xf32, #tpu.memory_space<hbm>>) target_semaphore(%arg15 : memref<!tpu.dma_semaphore, #tpu.memory_space<semaphore_mem>>)
    } else {
    }
    %add3A_393 = arith.constant 112 : i32
    %add3A_394 = arith.addi %add3A_393, %arg1 : i32
    %lt3A_395 = arith.constant 125 : i32
    %lt3A_396 = arith.cmpi slt, %add3A_394, %lt3A_395 : i32
    %convert_element_type3A_397 = arith.extui %lt3A_396 : i1 to i32
    %cond3A_398 = arith.constant 0 : i32
    %cond3A_399 = arith.cmpi ne, %convert_element_type3A_397, %cond3A_398 : i32
    scf.if %cond3A_399 {
      %mul3A_456 = arith.constant 80 : i32
      %mul3A_457 = arith.muli %add3A_394, %mul3A_456 : i32
      %mul3A_458 = arith.constant 10000 : i32
      %mul3A_459 = arith.muli %arg0, %mul3A_458 : i32
      %mul3A_460 = arith.constant 80 : i32
      %mul3A_461 = arith.muli %add3A_394, %mul3A_460 : i32
      %add3A_462 = arith.addi %mul3A_459, %mul3A_461 : i32
      %dma_start3A_463 = arith.constant 0 : i32
      %dma_start3A_464 = tpu.memref_slice %arg5[%add3A_462, %dma_start3A_463] : memref<20000x128xf32, #tpu.memory_space<hbm>> -> memref<80x128xf32, #tpu.memory_space<hbm>>
      %dma_start3A_465 = arith.constant 0 : i32
      %dma_start3A_466 = tpu.memref_slice %arg6[%mul3A_457, %dma_start3A_465] : memref<10000x128xf32, #tpu.memory_space<vmem_shared>> -> memref<80x128xf32, #tpu.memory_space<vmem_shared>>
      tpu.enqueue_dma source(%dma_start3A_466 : memref<80x128xf32, #tpu.memory_space<vmem_shared>>) target(%dma_start3A_464 : memref<80x128xf32, #tpu.memory_space<hbm>>) target_semaphore(%arg15 : memref<!tpu.dma_semaphore, #tpu.memory_space<semaphore_mem>>)
    } else {
    }
    %add3A_400 = arith.constant 0 : i32
    %add3A_401 = arith.addi %add3A_400, %arg1 : i32
    %lt3A_402 = arith.constant 125 : i32
    %lt3A_403 = arith.cmpi slt, %add3A_401, %lt3A_402 : i32
    %convert_element_type3A_404 = arith.extui %lt3A_403 : i1 to i32
    %cond3A_405 = arith.constant 0 : i32
    %cond3A_406 = arith.cmpi ne, %convert_element_type3A_404, %cond3A_405 : i32
    scf.if %cond3A_406 {
      %mul3A_456 = arith.constant 80 : i32
      %mul3A_457 = arith.muli %add3A_401, %mul3A_456 : i32
      %mul3A_458 = arith.constant 10000 : i32
      %mul3A_459 = arith.muli %arg0, %mul3A_458 : i32
      %mul3A_460 = arith.constant 80 : i32
      %mul3A_461 = arith.muli %add3A_401, %mul3A_460 : i32
      %add3A_462 = arith.addi %mul3A_459, %mul3A_461 : i32
      %dma_wait3A_463 = arith.constant 0 : i32
      %dma_wait3A_464 = tpu.memref_slice %arg5[%add3A_462, %dma_wait3A_463] : memref<20000x128xf32, #tpu.memory_space<hbm>> -> memref<80x128xf32, #tpu.memory_space<hbm>>
      %dma_wait3A_465 = arith.constant 0 : i32
      %dma_wait3A_466 = tpu.memref_slice %arg6[%mul3A_457, %dma_wait3A_465] : memref<10000x128xf32, #tpu.memory_space<vmem_shared>> -> memref<80x128xf32, #tpu.memory_space<vmem_shared>>
      tpu.wait_dma2 semaphore(%arg15 : memref<!tpu.dma_semaphore, #tpu.memory_space<semaphore_mem>>) src(%dma_wait3A_466 : memref<80x128xf32, #tpu.memory_space<vmem_shared>>) dst(%dma_wait3A_464 : memref<80x128xf32, #tpu.memory_space<hbm>>)
    } else {
    }
    %add3A_407 = arith.constant 16 : i32
    %add3A_408 = arith.addi %add3A_407, %arg1 : i32
    %lt3A_409 = arith.constant 125 : i32
    %lt3A_410 = arith.cmpi slt, %add3A_408, %lt3A_409 : i32
    %convert_element_type3A_411 = arith.extui %lt3A_410 : i1 to i32
    %cond3A_412 = arith.constant 0 : i32
    %cond3A_413 = arith.cmpi ne, %convert_element_type3A_411, %cond3A_412 : i32
    scf.if %cond3A_413 {
      %mul3A_456 = arith.constant 80 : i32
      %mul3A_457 = arith.muli %add3A_408, %mul3A_456 : i32
      %mul3A_458 = arith.constant 10000 : i32
      %mul3A_459 = arith.muli %arg0, %mul3A_458 : i32
      %mul3A_460 = arith.constant 80 : i32
      %mul3A_461 = arith.muli %add3A_408, %mul3A_460 : i32
      %add3A_462 = arith.addi %mul3A_459, %mul3A_461 : i32
      %dma_wait3A_463 = arith.constant 0 : i32
      %dma_wait3A_464 = tpu.memref_slice %arg5[%add3A_462, %dma_wait3A_463] : memref<20000x128xf32, #tpu.memory_space<hbm>> -> memref<80x128xf32, #tpu.memory_space<hbm>>
      %dma_wait3A_465 = arith.constant 0 : i32
      %dma_wait3A_466 = tpu.memref_slice %arg6[%mul3A_457, %dma_wait3A_465] : memref<10000x128xf32, #tpu.memory_space<vmem_shared>> -> memref<80x128xf32, #tpu.memory_space<vmem_shared>>
      tpu.wait_dma2 semaphore(%arg15 : memref<!tpu.dma_semaphore, #tpu.memory_space<semaphore_mem>>) src(%dma_wait3A_466 : memref<80x128xf32, #tpu.memory_space<vmem_shared>>) dst(%dma_wait3A_464 : memref<80x128xf32, #tpu.memory_space<hbm>>)
    } else {
    }
    %add3A_414 = arith.constant 32 : i32
    %add3A_415 = arith.addi %add3A_414, %arg1 : i32
    %lt3A_416 = arith.constant 125 : i32
    %lt3A_417 = arith.cmpi slt, %add3A_415, %lt3A_416 : i32
    %convert_element_type3A_418 = arith.extui %lt3A_417 : i1 to i32
    %cond3A_419 = arith.constant 0 : i32
    %cond3A_420 = arith.cmpi ne, %convert_element_type3A_418, %cond3A_419 : i32
    scf.if %cond3A_420 {
      %mul3A_456 = arith.constant 80 : i32
      %mul3A_457 = arith.muli %add3A_415, %mul3A_456 : i32
      %mul3A_458 = arith.constant 10000 : i32
      %mul3A_459 = arith.muli %arg0, %mul3A_458 : i32
      %mul3A_460 = arith.constant 80 : i32
      %mul3A_461 = arith.muli %add3A_415, %mul3A_460 : i32
      %add3A_462 = arith.addi %mul3A_459, %mul3A_461 : i32
      %dma_wait3A_463 = arith.constant 0 : i32
      %dma_wait3A_464 = tpu.memref_slice %arg5[%add3A_462, %dma_wait3A_463] : memref<20000x128xf32, #tpu.memory_space<hbm>> -> memref<80x128xf32, #tpu.memory_space<hbm>>
      %dma_wait3A_465 = arith.constant 0 : i32
      %dma_wait3A_466 = tpu.memref_slice %arg6[%mul3A_457, %dma_wait3A_465] : memref<10000x128xf32, #tpu.memory_space<vmem_shared>> -> memref<80x128xf32, #tpu.memory_space<vmem_shared>>
      tpu.wait_dma2 semaphore(%arg15 : memref<!tpu.dma_semaphore, #tpu.memory_space<semaphore_mem>>) src(%dma_wait3A_466 : memref<80x128xf32, #tpu.memory_space<vmem_shared>>) dst(%dma_wait3A_464 : memref<80x128xf32, #tpu.memory_space<hbm>>)
    } else {
    }
    %add3A_421 = arith.constant 48 : i32
    %add3A_422 = arith.addi %add3A_421, %arg1 : i32
    %lt3A_423 = arith.constant 125 : i32
    %lt3A_424 = arith.cmpi slt, %add3A_422, %lt3A_423 : i32
    %convert_element_type3A_425 = arith.extui %lt3A_424 : i1 to i32
    %cond3A_426 = arith.constant 0 : i32
    %cond3A_427 = arith.cmpi ne, %convert_element_type3A_425, %cond3A_426 : i32
    scf.if %cond3A_427 {
      %mul3A_456 = arith.constant 80 : i32
      %mul3A_457 = arith.muli %add3A_422, %mul3A_456 : i32
      %mul3A_458 = arith.constant 10000 : i32
      %mul3A_459 = arith.muli %arg0, %mul3A_458 : i32
      %mul3A_460 = arith.constant 80 : i32
      %mul3A_461 = arith.muli %add3A_422, %mul3A_460 : i32
      %add3A_462 = arith.addi %mul3A_459, %mul3A_461 : i32
      %dma_wait3A_463 = arith.constant 0 : i32
      %dma_wait3A_464 = tpu.memref_slice %arg5[%add3A_462, %dma_wait3A_463] : memref<20000x128xf32, #tpu.memory_space<hbm>> -> memref<80x128xf32, #tpu.memory_space<hbm>>
      %dma_wait3A_465 = arith.constant 0 : i32
      %dma_wait3A_466 = tpu.memref_slice %arg6[%mul3A_457, %dma_wait3A_465] : memref<10000x128xf32, #tpu.memory_space<vmem_shared>> -> memref<80x128xf32, #tpu.memory_space<vmem_shared>>
      tpu.wait_dma2 semaphore(%arg15 : memref<!tpu.dma_semaphore, #tpu.memory_space<semaphore_mem>>) src(%dma_wait3A_466 : memref<80x128xf32, #tpu.memory_space<vmem_shared>>) dst(%dma_wait3A_464 : memref<80x128xf32, #tpu.memory_space<hbm>>)
    } else {
    }
    %add3A_428 = arith.constant 64 : i32
    %add3A_429 = arith.addi %add3A_428, %arg1 : i32
    %lt3A_430 = arith.constant 125 : i32
    %lt3A_431 = arith.cmpi slt, %add3A_429, %lt3A_430 : i32
    %convert_element_type3A_432 = arith.extui %lt3A_431 : i1 to i32
    %cond3A_433 = arith.constant 0 : i32
    %cond3A_434 = arith.cmpi ne, %convert_element_type3A_432, %cond3A_433 : i32
    scf.if %cond3A_434 {
      %mul3A_456 = arith.constant 80 : i32
      %mul3A_457 = arith.muli %add3A_429, %mul3A_456 : i32
      %mul3A_458 = arith.constant 10000 : i32
      %mul3A_459 = arith.muli %arg0, %mul3A_458 : i32
      %mul3A_460 = arith.constant 80 : i32
      %mul3A_461 = arith.muli %add3A_429, %mul3A_460 : i32
      %add3A_462 = arith.addi %mul3A_459, %mul3A_461 : i32
      %dma_wait3A_463 = arith.constant 0 : i32
      %dma_wait3A_464 = tpu.memref_slice %arg5[%add3A_462, %dma_wait3A_463] : memref<20000x128xf32, #tpu.memory_space<hbm>> -> memref<80x128xf32, #tpu.memory_space<hbm>>
      %dma_wait3A_465 = arith.constant 0 : i32
      %dma_wait3A_466 = tpu.memref_slice %arg6[%mul3A_457, %dma_wait3A_465] : memref<10000x128xf32, #tpu.memory_space<vmem_shared>> -> memref<80x128xf32, #tpu.memory_space<vmem_shared>>
      tpu.wait_dma2 semaphore(%arg15 : memref<!tpu.dma_semaphore, #tpu.memory_space<semaphore_mem>>) src(%dma_wait3A_466 : memref<80x128xf32, #tpu.memory_space<vmem_shared>>) dst(%dma_wait3A_464 : memref<80x128xf32, #tpu.memory_space<hbm>>)
    } else {
    }
    %add3A_435 = arith.constant 80 : i32
    %add3A_436 = arith.addi %add3A_435, %arg1 : i32
    %lt3A_437 = arith.constant 125 : i32
    %lt3A_438 = arith.cmpi slt, %add3A_436, %lt3A_437 : i32
    %convert_element_type3A_439 = arith.extui %lt3A_438 : i1 to i32
    %cond3A_440 = arith.constant 0 : i32
    %cond3A_441 = arith.cmpi ne, %convert_element_type3A_439, %cond3A_440 : i32
    scf.if %cond3A_441 {
      %mul3A_456 = arith.constant 80 : i32
      %mul3A_457 = arith.muli %add3A_436, %mul3A_456 : i32
      %mul3A_458 = arith.constant 10000 : i32
      %mul3A_459 = arith.muli %arg0, %mul3A_458 : i32
      %mul3A_460 = arith.constant 80 : i32
      %mul3A_461 = arith.muli %add3A_436, %mul3A_460 : i32
      %add3A_462 = arith.addi %mul3A_459, %mul3A_461 : i32
      %dma_wait3A_463 = arith.constant 0 : i32
      %dma_wait3A_464 = tpu.memref_slice %arg5[%add3A_462, %dma_wait3A_463] : memref<20000x128xf32, #tpu.memory_space<hbm>> -> memref<80x128xf32, #tpu.memory_space<hbm>>
      %dma_wait3A_465 = arith.constant 0 : i32
      %dma_wait3A_466 = tpu.memref_slice %arg6[%mul3A_457, %dma_wait3A_465] : memref<10000x128xf32, #tpu.memory_space<vmem_shared>> -> memref<80x128xf32, #tpu.memory_space<vmem_shared>>
      tpu.wait_dma2 semaphore(%arg15 : memref<!tpu.dma_semaphore, #tpu.memory_space<semaphore_mem>>) src(%dma_wait3A_466 : memref<80x128xf32, #tpu.memory_space<vmem_shared>>) dst(%dma_wait3A_464 : memref<80x128xf32, #tpu.memory_space<hbm>>)
    } else {
    }
    %add3A_442 = arith.constant 96 : i32
    %add3A_443 = arith.addi %add3A_442, %arg1 : i32
    %lt3A_444 = arith.constant 125 : i32
    %lt3A_445 = arith.cmpi slt, %add3A_443, %lt3A_444 : i32
    %convert_element_type3A_446 = arith.extui %lt3A_445 : i1 to i32
    %cond3A_447 = arith.constant 0 : i32
    %cond3A_448 = arith.cmpi ne, %convert_element_type3A_446, %cond3A_447 : i32
    scf.if %cond3A_448 {
      %mul3A_456 = arith.constant 80 : i32
      %mul3A_457 = arith.muli %add3A_443, %mul3A_456 : i32
      %mul3A_458 = arith.constant 10000 : i32
      %mul3A_459 = arith.muli %arg0, %mul3A_458 : i32
      %mul3A_460 = arith.constant 80 : i32
      %mul3A_461 = arith.muli %add3A_443, %mul3A_460 : i32
      %add3A_462 = arith.addi %mul3A_459, %mul3A_461 : i32
      %dma_wait3A_463 = arith.constant 0 : i32
      %dma_wait3A_464 = tpu.memref_slice %arg5[%add3A_462, %dma_wait3A_463] : memref<20000x128xf32, #tpu.memory_space<hbm>> -> memref<80x128xf32, #tpu.memory_space<hbm>>
      %dma_wait3A_465 = arith.constant 0 : i32
      %dma_wait3A_466 = tpu.memref_slice %arg6[%mul3A_457, %dma_wait3A_465] : memref<10000x128xf32, #tpu.memory_space<vmem_shared>> -> memref<80x128xf32, #tpu.memory_space<vmem_shared>>
      tpu.wait_dma2 semaphore(%arg15 : memref<!tpu.dma_semaphore, #tpu.memory_space<semaphore_mem>>) src(%dma_wait3A_466 : memref<80x128xf32, #tpu.memory_space<vmem_shared>>) dst(%dma_wait3A_464 : memref<80x128xf32, #tpu.memory_space<hbm>>)
    } else {
    }
    %add3A_449 = arith.constant 112 : i32
    %add3A_450 = arith.addi %add3A_449, %arg1 : i32
    %lt3A_451 = arith.constant 125 : i32
    %lt3A_452 = arith.cmpi slt, %add3A_450, %lt3A_451 : i32
    %convert_element_type3A_453 = arith.extui %lt3A_452 : i1 to i32
    %cond3A_454 = arith.constant 0 : i32
    %cond3A_455 = arith.cmpi ne, %convert_element_type3A_453, %cond3A_454 : i32
    scf.if %cond3A_455 {
      %mul3A_456 = arith.constant 80 : i32
      %mul3A_457 = arith.muli %add3A_450, %mul3A_456 : i32
      %mul3A_458 = arith.constant 10000 : i32
      %mul3A_459 = arith.muli %arg0, %mul3A_458 : i32
      %mul3A_460 = arith.constant 80 : i32
      %mul3A_461 = arith.muli %add3A_450, %mul3A_460 : i32
      %add3A_462 = arith.addi %mul3A_459, %mul3A_461 : i32
      %dma_wait3A_463 = arith.constant 0 : i32
      %dma_wait3A_464 = tpu.memref_slice %arg5[%add3A_462, %dma_wait3A_463] : memref<20000x128xf32, #tpu.memory_space<hbm>> -> memref<80x128xf32, #tpu.memory_space<hbm>>
      %dma_wait3A_465 = arith.constant 0 : i32
      %dma_wait3A_466 = tpu.memref_slice %arg6[%mul3A_457, %dma_wait3A_465] : memref<10000x128xf32, #tpu.memory_space<vmem_shared>> -> memref<80x128xf32, #tpu.memory_space<vmem_shared>>
      tpu.wait_dma2 semaphore(%arg15 : memref<!tpu.dma_semaphore, #tpu.memory_space<semaphore_mem>>) src(%dma_wait3A_466 : memref<80x128xf32, #tpu.memory_space<vmem_shared>>) dst(%dma_wait3A_464 : memref<80x128xf32, #tpu.memory_space<hbm>>)
    } else {
    }
    return
  }
}

module attributes {stable_mosaic.version = 14 : i64} {
  func.func @_tc_body(%arg0: i32, %arg1: memref<2000x128xf32, #tpu.memory_space<vmem>>, %arg2: memref<2000x128xf32, #tpu.memory_space<vmem>>, %arg3: memref<2000x128xf32, #tpu.memory_space<vmem>>, %arg4: memref<128x256xf32, #tpu.memory_space<vmem>>, %arg5: memref<1x128xf32, #tpu.memory_space<vmem>>, %arg6: memref<2000x128xf32, #tpu.memory_space<vmem>>) attributes {dimension_semantics = [#tpu.dimension_semantics<arbitrary>], iteration_bounds = array<i64: 5>, scalar_prefetch = 0 : i64, scratch_operands = 0 : i64, tpu.core_type = #tpu.core_type<tc>, window_params = [{transform_indices = @transform_0, window_bounds = array<i64: 2000, 128>}, {transform_indices = @transform_1, window_bounds = array<i64: 2000, 128>}, {transform_indices = @transform_2, window_bounds = array<i64: 2000, 128>}, {pipeline_mode = #tpu.pipeline_mode<synchronous>, transform_indices = @transform_3, window_bounds = array<i64: 128, 256>}, {pipeline_mode = #tpu.pipeline_mode<synchronous>, transform_indices = @transform_4, window_bounds = array<i64: 1, 128>}, {transform_indices = @transform_5, window_bounds = array<i64: 2000, 128>}]} {
    %get3A = arith.constant 0 : index
    %get3A_0 = arith.constant 0 : index
    %get3A_1 = vector.load %arg2[%get3A, %get3A_0] : memref<2000x128xf32, #tpu.memory_space<vmem>>, vector<2000x128xf32>
    %get3A_2 = arith.constant 0 : index
    %get3A_3 = arith.constant 0 : index
    %get3A_4 = vector.load %arg3[%get3A_2, %get3A_3] : memref<2000x128xf32, #tpu.memory_space<vmem>>, vector<2000x128xf32>
    %add3A = arith.addf %get3A_1, %get3A_4 : vector<2000x128xf32>
    %get3A_5 = arith.constant 0 : index
    %get3A_6 = arith.constant 0 : index
    %get3A_7 = vector.load %arg1[%get3A_5, %get3A_6] : memref<2000x128xf32, #tpu.memory_space<vmem>>, vector<2000x128xf32>
    %get3A_8 = arith.constant 0 : index
    %get3A_9 = arith.constant 0 : index
    %get3A_10 = vector.load %arg4[%get3A_8, %get3A_9] : memref<128x256xf32, #tpu.memory_space<vmem>>, vector<128x128xf32>
    %dot_general3A = arith.constant dense<0.000000e+00> : vector<2000x128xf32>
    %dot_general3A_11 = tpu.matmul %get3A_7, %get3A_10, %dot_general3A {dimension_numbers = #tpu.dot_dimension_numbers<[1], [1], [0], [0], [0, 0, 1, 0], [], []>, transpose_lhs_hint = false} : vector<2000x128xf32>, vector<128x128xf32>, vector<2000x128xf32> -> vector<2000x128xf32>
    %get3A_12 = arith.constant 0 : index
    %get3A_13 = arith.constant 128 : index
    %get3A_14 = vector.load %arg4[%get3A_12, %get3A_13] : memref<128x256xf32, #tpu.memory_space<vmem>>, vector<128x128xf32>
    %dot_general3A_15 = arith.constant dense<0.000000e+00> : vector<2000x128xf32>
    %dot_general3A_16 = tpu.matmul %add3A, %get3A_14, %dot_general3A_15 {dimension_numbers = #tpu.dot_dimension_numbers<[1], [1], [0], [0], [0, 0, 1, 0], [], []>, transpose_lhs_hint = false} : vector<2000x128xf32>, vector<128x128xf32>, vector<2000x128xf32> -> vector<2000x128xf32>
    %add3A_17 = arith.addf %dot_general3A_11, %dot_general3A_16 : vector<2000x128xf32>
    %get3A_18 = arith.constant 0 : index
    %get3A_19 = arith.constant 0 : index
    %get3A_20 = vector.load %arg5[%get3A_18, %get3A_19] : memref<1x128xf32, #tpu.memory_space<vmem>>, vector<1x128xf32>
    %add3A_21 = vector.broadcast %get3A_20 : vector<1x128xf32> to vector<2000x128xf32>
    %add3A_22 = arith.addf %add3A_17, %add3A_21 : vector<2000x128xf32>
    %max3A = arith.constant 0.000000e+00 : f32
    %max3A_23 = vector.broadcast %max3A : f32 to vector<2000x128xf32>
    %max3A_24 = arith.maximumf %add3A_22, %max3A_23 : vector<2000x128xf32>
    %swap3A = arith.constant 0 : index
    %swap3A_25 = arith.constant 0 : index
    %swap3A_26 = vector.load %arg6[%swap3A, %swap3A_25] : memref<2000x128xf32, #tpu.memory_space<vmem>>, vector<2000x128xf32>
    tpu.vector_store %arg6[%swap3A, %swap3A_25], %max3A_24 {strides = array<i32>} : memref<2000x128xf32, #tpu.memory_space<vmem>>, vector<2000x128xf32>,
    return
  }
  func.func @transform_0(%arg0: i32) -> (i32, i32) {
    %c0_i32 = arith.constant 0 : i32
    %c0_i32_0 = arith.constant 0 : i32
    return %arg0, %c0_i32 : i32, i32
  }
  func.func @transform_1(%arg0: i32) -> (i32, i32) {
    %c0_i32 = arith.constant 0 : i32
    %c0_i32_0 = arith.constant 0 : i32
    return %arg0, %c0_i32 : i32, i32
  }
  func.func @transform_2(%arg0: i32) -> (i32, i32) {
    %add3A = arith.constant 5 : i32
    %add3A_0 = arith.addi %arg0, %add3A : i32
    %c0_i32 = arith.constant 0 : i32
    %c0_i32_1 = arith.constant 0 : i32
    return %add3A_0, %c0_i32 : i32, i32
  }
  func.func @transform_3(%arg0: i32) -> (i32, i32) {
    %c0_i32 = arith.constant 0 : i32
    %c0_i32_0 = arith.constant 0 : i32
    %c0_i32_1 = arith.constant 0 : i32
    return %c0_i32, %c0_i32_0 : i32, i32
  }
  func.func @transform_4(%arg0: i32) -> (i32, i32) {
    %c0_i32 = arith.constant 0 : i32
    %c0_i32_0 = arith.constant 0 : i32
    %c0_i32_1 = arith.constant 0 : i32
    return %c0_i32, %c0_i32_0 : i32, i32
  }
  func.func @transform_5(%arg0: i32) -> (i32, i32) {
    %c0_i32 = arith.constant 0 : i32
    %c0_i32_0 = arith.constant 0 : i32
    return %arg0, %c0_i32 : i32, i32
  }
}

</mosaic_0001>

<sc_bundles>
// kernel: kernel.4.cloned.1.call-start
scs
__scs_entry_jumppad:
0x0: {  	(pc) =	sbr.rel $0x88, $3  }
0x1: {  	(tag) =	ssettag $0x0;
	lr =	simm.s32 $0x1  }
0x2: {  	[smem:$0x3F9D] =	sst lr;
	_ =	strace $0xD0000000  }
0x3: {  	_ = 	snop  }
0x4: {  	_ = 	snop  }
0x5: {  	_ = 	snop  }
0x6: {  	_ = 	snop  }
0x7: {  	_ = 	snop  }
__scs_overlays_trampoline_lowered:
0x8: {  	[smem:$0x3FAC] =	sst s0  }
0x9: {  	[smem:$0x3FAD] =	sst s1  }
0xa: {  	[smem:$0x3FAE] =	sst s2  }
0xb: {  	[smem:$0x3FAF] =	sst s3  }
0xc: {  	[smem:$0x3FB0] =	sst s4  }
0xd: {  	[smem:$0x3FB1] =	sst s5  }
0xe: {  	[smem:$0x3FB2] =	sst s6  }
0xf: {  	[smem:$0x3FB3] =	sst s7  }
0x10: {  	[smem:$0x3FB4] =	sst s8  }
0x11: {  	[smem:$0x3FB5] =	sst s9;
	s0 =	simm.s32 @!p0 $0x0  }
0x12: {  	s1 =	sld [smem:$0x3F9B];
	s0 =	simm.s32 @p0 $0x1  }
0x13: {  	[smem:$0x3FB6] =	sst s0;
	s0 =	simm.s32 @!p1 $0x0  }
0x14: {  	s2 =	sld [smem:$0x3F9A];
	s0 =	simm.s32 @p1 $0x1  }
0x15: {  	[smem:$0x3FB7] =	sst s0;
	s0 =	simm.s32 @!p2 $0x0  }
0x16: {  	s3 =	sld [smem:$0x3FDB];
	s0 =	simm.s32 @p2 $0x1  }
0x17: {  	s4 =	simm.s32 $0x1BF5;
	[smem:$0x3FB9] =	sst s0  }
0x18: {  	s0 =	sld [smem:$0x3F9C];
	_ =	swait.ge [sflag:s4], $0x0  }
0x19: {  	s7 =	sld [smem:$0x3F9D]  }
0x1a: {  	s8 =	sadd.s32 $0xFFFFE003, lr  }
0x1b: {  	s9 =	sadd.s32 $0xFFFFFEF7, lr;
	s5 =	simm.s32 $0xFFFFFFFF;
	p2 =	slt.u32 s8, $0xFFFFF086  }
0x1c: {  	p1 =	slt.u32 s9, $0xF7A;
	s5 =	simm.s32 @!p2 $0x0  }
0x1d: {  	s5 =	simm.s32 @p1 $0x1;
	p0 =	seq.s32 s7, s2  }
0x1e: {  	s7 =	smul.u32 @!p0 $0xF7A, s2;
	p2 =	seq.s32 @!p0 s5, $0x0  }
0x1f: {  	s9 =	smul.u32 $0xF7A, s1;
	s8 =	simm.s32 @!p0 $0x1BF5;
	p2 =	por !p2, p0  }
0x20: {  	[sflag:s8] =	ssyncset.s32 @!p0 $0xFFFFF086;
	s6 =	sadd.s32 @!p0 s3, s7;
	s7 =	simm.s32 @!p0 $0x108  }
0x21: {  	s3 =	sadd.s32 s3, s9;
	s6 =	sadd.s32 @!p0 $0x88, s6;
	s7 =	simm.s32 @p2 $0x1082  }
0x22: {  	[simem:s7], [sflag:s8] =	dma.local @!p0 [hbm:s6], $0xF7A  }
0x23: {  	s9 =	sor.u32 $0xD0000000, s2;
	s6 =	simm.s32 $0x108;
	_ =	swait.ge @!p0 [sflag:s8], $0x0  }
0x24: {  	s3 =	sadd.s32 $0x88, s3;
	s6 =	simm.s32 @!p1 $0x1082;
	[sflag:s4] =	ssyncset.s32 $0xFFFFF086  }
0x25: {  	[simem:s6], [sflag:s4] =	dma.local [hbm:s3], $0xF7A  }
0x26: {  	[smem:$0x3F9D] =	sst s1;
	(tag) =	ssettag s2;
	_ =	strace s9  }
0x27: {  	s1 =	sld [smem:$0x3FAD]  }
0x28: {  	s2 =	sld [smem:$0x3FAE]  }
0x29: {  	s4 =	sld [smem:$0x3FB0]  }
0x2a: {  	p0 =	seq.s32 s5, $0x0;
	s5 =	sld [smem:$0x3FB1]  }
0x2b: {  	s6 =	sld [smem:$0x3FB2]  }
0x2c: {  	s7 =	sld [smem:$0x3FB3]  }
0x2d: {  	s3 =	simm.s32 $0x108;
	s8 =	sld [smem:$0x3FB4]  }
0x2e: {  	s3 =	simm.s32 @!p0 $0x1082;
	s9 =	sld [smem:$0x3FB5]  }
0x2f: {  	lr =	sadd.s32 s0, s3;
	s0 =	sld [smem:$0x3FAC]  }
0x30: {  	s3 =	sld [smem:$0x3FAF]  }
0x31: {  	[smem:$0x3FB8] =	sst s10  }
0x32: {  	s10 =	sld [smem:$0x3FB6];
	_ =	sdelay $0x3  }
0x33: {  	p0 =	seq.s32 s10, $0x1;
	s10 =	sld [smem:$0x3FB8];
	_ =	sdelay $0x3  }
0x34: {  	[smem:$0x3FB8] =	sst s10  }
0x35: {  	s10 =	sld [smem:$0x3FB7];
	_ =	sdelay $0x3  }
0x36: {  	p1 =	seq.s32 s10, $0x1;
	s10 =	sld [smem:$0x3FB8];
	_ =	sdelay $0x3  }
0x37: {  	[smem:$0x3FB8] =	sst s10  }
0x38: {  	s10 =	sld [smem:$0x3FB9]  }
0x39: {  	_ = 	snop;
	(pc) =	sbr.ind lr, $3  }
0x3a: {  	_ = 	snop  }
0x3b: {  	_ = 	snop  }
0x3c: {  	p2 =	seq.s32 s10, $0x1;
	s10 =	sld [smem:$0x3FB8]  }
0x3d: {  	_ =	shalt  }
0x3e: {  	_ =	shalt  }
0x3f: {  	_ =	shalt  }
0x40: {  	_ =	shalt  }
0x41: {  	_ =	shalt  }
0x42: {  	_ =	shalt  }
0x43: {  	_ =	shalt  }
0x44: {  	_ =	shalt  }
0x45: {  	_ =	shalt  }
0x46: {  	_ =	shalt  }
0x47: {  	_ =	shalt  }
0x48: {  	_ =	shalt  }
0x49: {  	_ =	shalt  }
0x4a: {  	_ =	shalt  }
0x4b: {  	_ =	shalt  }
0x4c: {  	_ =	shalt  }
0x4d: {  	_ =	shalt  }
0x4e: {  	_ =	shalt  }
0x4f: {  	_ =	shalt  }
0x50: {  	_ =	shalt  }
0x51: {  	_ =	shalt  }
0x52: {  	_ =	shalt  }
0x53: {  	_ =	shalt  }
0x54: {  	_ =	shalt  }
0x55: {  	_ =	shalt  }
0x56: {  	_ =	shalt  }
0x57: {  	_ =	shalt  }
0x58: {  	_ =	shalt  }
0x59: {  	_ =	shalt  }
0x5a: {  	_ =	shalt  }
0x5b: {  	_ =	shalt  }
0x5c: {  	_ =	shalt  }
0x5d: {  	_ =	shalt  }
0x5e: {  	_ =	shalt  }
0x5f: {  	_ =	shalt  }
0x60: {  	_ =	shalt  }
0x61: {  	_ =	shalt  }
0x62: {  	_ =	shalt  }
0x63: {  	_ =	shalt  }
0x64: {  	_ =	shalt  }
0x65: {  	_ =	shalt  }
0x66: {  	_ =	shalt  }
0x67: {  	_ =	shalt  }
0x68: {  	_ =	shalt  }
0x69: {  	_ =	shalt  }
0x6a: {  	_ =	shalt  }
0x6b: {  	_ =	shalt  }
0x6c: {  	_ =	shalt  }
0x6d: {  	_ =	shalt  }
0x6e: {  	_ =	shalt  }
0x6f: {  	_ =	shalt  }
0x70: {  	_ =	shalt  }
0x71: {  	_ =	shalt  }
0x72: {  	_ =	shalt  }
0x73: {  	_ =	shalt  }
0x74: {  	_ =	shalt  }
0x75: {  	_ =	shalt  }
0x76: {  	_ =	shalt  }
0x77: {  	_ =	shalt  }
0x78: {  	_ =	shalt  }
0x79: {  	_ =	shalt  }
0x7a: {  	_ =	shalt  }
0x7b: {  	_ =	shalt  }
0x7c: {  	_ =	shalt  }
0x7d: {  	_ =	shalt  }
0x7e: {  	_ =	shalt  }
0x7f: {  	_ =	shalt  }
0x80: {  	_ =	shalt  }
0x81: {  	_ =	shalt  }
0x82: {  	_ =	shalt  }
0x83: {  	_ =	shalt  }
0x84: {  	_ =	shalt  }
0x85: {  	_ =	shalt  }
0x86: {  	_ =	shalt  }
0x87: {  	_ =	shalt  }
.Lfunc_end0:
.L_simem_size_0:
called_computation_lowered:
.L_overlay_start_0:
0x88: {  	s2 =	sld [smem:$0x3FD9]  }
0x89: {  	s3 =	sld [smem:$0x3FFE];
	_ =	sdelay $0x1  }
0x8a: {  	s1 =	srdreg.scid  }
0x8b: {  	s0 =	sand.u32 $0x1, s1  }
0x8c: {  	s17 =	sshll.u32 s0, $0xA;
	s2 =	sadd.s32 s3, s2  }
0x8d: {  	s2 =	sadd.s32 s2, s17  }
0x8e: {  	[smem:$0x3FC4] =	sst s2  }
0x8f: {  	_ = 	snop  }
0x90: {  	s2 =	sld [smem:$0x3FC9]  }
0x91: {  	s18 =	sld [smem:$0x3FC8]  }
0x92: {  	s4 =	sld [smem:$0x3FD0];
	(tm) =	ssettm $0x1  }
0x93: {  	s5 =	sld [smem:$0x3FFB];
	_ =	sdelay $0x3  }
0x94: {  	_ =	strace s5  }
0x95: {  	s5 =	sld [smem:$0x3FFC];
	_ =	sdelay $0x3  }
0x96: {  	_ =	strace s5  }
0x97: {  	s5 =	sld [smem:$0x3FFD];
	_ =	sdelay $0x3  }
0x98: {  	_ =	strace s5  }
0x99: {  	_ =	strace $0x8FFFFFFF  }
0x9a: {  	s19 =	sld [smem:$0x3FDB];
	_ =	sdelay $0x1  }
0x9b: {  	s6 =	simm.s32 $_scs_section_size  }
0x9c: {  	s7 =	simm.s32 $_size__tile_overlayer_lowered;
	s8 =	simm.s32 $_tile_overlayer_lowered  }
0x9d: {  	s22 =	simm.s32 $0x1BFF;
	s21 =	sshll.u32 s8, $0x1;
	s5 =	sadd.s32 s6, s19  }
0x9e: {  	s9 =	simm.s32 $0x0;
	s20 =	sshll.u32 s7, $0x1;
	s7 =	sadd.s32 s21, s5  }
0x9f: {  	[timem:s9], [sflag:s22] =	dma.local [hbm:s7], s20  }
0xa0: {  	_ =	swait.ge [sflag:s22], s20  }
0xa1: {  	s6 =	ssub.s32 $0x0, s20;
	[sflag:s22] =	ssyncset.done $0x0  }
0xa2: {  	[sflag:s22] =	ssyncadd.s32 s6;
	_ =	sdelay $0x1  }
0xa3: {  	s23 =	simm.s32 $0x1B8B  }
0xa4: {  	_ =	swait.ge [sflag:s23], $0x1  }
0xa5: {  	[sflag:s23] =	ssyncset.done $0x0  }
0xa6: {  	s25 =	simm.s32 $0x1B8E;
	s24 =	sld [smem:$0x3FFE];
	[sflag:s23] =	ssyncadd.s32 $0xFFFFFFFF  }
0xa7: {  	s26 =	simm.s32 $execute0_lowered;
	[smem:$0x3FD2] =	sst s25  }
0xa8: {  	s7 =	sshll.u32 s26, $0x1;
	_ =	strace $0x80000046;
	[dreg:$0x1] =	wrdreg $0xFFFFFFFF  }
0xa9: {  	s28 =	simm.s32 $_size_execute0_lowered;
	s5 =	sadd.s32 s5, s7;
	[dreg:$0x0] =	wrdreg $0x0  }
0xaa: {  	s7 =	sshll.u32 s28, $0x1;
	[dreg:$0x2] =	wrdreg s5  }
0xab: {  	[dreg:$0x3] =	wrdreg s7  }
0xac: {  	[dreg:$0x4] =	wrdreg $0xC0  }
0xad: {  	_ =	task [dreg:s9], $0x5FFFF  }
0xae: {  	[dreg:$0x1] =	wrdreg $0xFFFFFFFF  }
0xaf: {  	[dreg:$0x0] =	wrdreg $0x60  }
0xb0: {  	[dreg:$0x2] =	wrdreg s2  }
0xb1: {  	[dreg:$0x3] =	wrdreg s18  }
0xb2: {  	[dreg:$0x4] =	wrdreg s4  }
0xb3: {  	[dreg:$0x5] =	wrdreg s24  }
0xb4: {  	[dreg:$0x6] =	wrdreg $0x0  }
0xb5: {  	[dreg:$0x7] =	wrdreg $0x9  }
0xb6: {  	_ =	task.clear_ibuf [dreg:s9], $0x8FFFF;
	_ =	strace $0x90000046  }
0xb7: {  	s29 =	simm.s32 $0x9;
	_ =	strace $0x80000048  }
0xb8: {  	_ =	swait.ge [sflag:s29], $0x1  }
0xb9: {  	[sflag:s29] =	ssyncadd.s32 $0xFFFFFFFF  }
0xba: {  	_ =	strace $0x90000048  }
0xbb: {  	_ =	sfence  }
0xbc: {  	s30 =	sld [smem:$0x0];
	_ =	sdelay $0x2  }
0xbd: {  	s31 =	sshll.u32 s1, $0xD;
	s1 =	sshrl.u32 s1, $0x2  }
0xbe: {  	s3 =	sand.u32 $0x4000, s31;
	s1 =	sadd.s32 s1, s30  }
0xbf: {  	s0 =	sor.u32 s3, s0;
	s1 =	sshll.u32 s1, $0x11  }
0xc0: {  	s0 =	sor.u32 s1, s0  }
0xc1: {  	s0 =	sadd.s32 $0x8F2B, s0  }
0xc2: {  	[sflag:s0] =	ssyncadd.remote.s32 $0x1  }
0xc3: {  	_ =	sfence.sel $0xFFFF  }
0xc4: {  	[dreg:$0x0] =	wrdreg $0xFFFFFFFF;
	(pc) =	sbr.abs _section_cstart, $3  }
0xc5: {  	[dreg:$0x1] =	wrdreg $0xFFFFFFFF  }
0xc6: {  	_ =	task.clear_ibuf [dreg:s9], $0x2FFFF;
	_ =	strace $0x9FFFFFFF  }
0xc7: {  	(tm) =	ssettm $0x7FFFFFFF  }
tec
execute0_lowered:
.L_overlay_start_1:
0x0: {  	(tag) =	ssettag $0x1  }
0x1: {  	s1 =	rddreg [dreg:$0x0]  }
0x2: {  	s2 =	rddreg [dreg:$0x1];
	s25 =	stileid.u32  }
0x3: {  	s3 =	rddreg [dreg:$0x3];
	s0 =	srdreg.scid  }
0x4: {  	s5 =	rddreg [dreg:$0x4];
	s11 =	smul.u32 $0x50, s25  }
0x5: {  	s6 =	simm.s32 $0x0;
	s4 =	sor.u32 $0x10, s25;
	s26 =	smul.u32 $0xA000, s25  }
0x6: {  	s28 =	simm.s32 $0x80;
	s7 =	sand.u32 $0x1, s0;
	s8 =	smul.u32 $0xA000, s4  }
0x7: {  	s29 =	simm.s32 $0x13C80;
	s30 =	simm.s32 $0x5;
	s9 =	smul.u32 $0x2710, s7  }
0x8: {  	s31 =	simm.s32 $0x17C80;
	s13 =	sor.u32 $0x30, s25;
	s4 =	smul.u32 $0x50, s4  }
0x9: {  	s12 =	sshll.u32 s25, $0x1;
	s16 =	sor.u32 $0x50, s25;
	s15 =	smul.u32 $0x50, s13  }
0xa: {  	s17 =	sor.u32 $0x60, s25;
	s19 =	sor.u32 $0x70, s25;
	s24 =	smul.u32 $0x50, s16  }
0xb: {  	[smem:$0x7FF] =	sst s6;
	s3 =	sadd.s32 $0xC00, s3;
	s21 =	smul.u32 $0x50, s17  }
0xc: {  	p0 =	sgt.u32 s25, $0xC;
	s0 =	ssub.s32 $0x2, s7;
	s22 =	smul.u32 $0x50, s19  }
0xd: {  	s7 =	sor.u32 s7, s12;
	s12 =	sor.u32 $0x40, s25;
	s13 =	smul.u32 $0xA000, s13  }
0xe: {  	p1 =	sgt.u32 s25, $0x1;
	s10 =	sshrl.u32 s0, $0x1;
	s18 =	smul.u32 $0x50, s12  }
0xf: {  	_ =	strace $0x80000047;
	s12 =	smul.u32 $0xA000, s12;
	s0 =	ssub.s32 s0, s10  }
0x10: {  	s10 =	sor.u32 $0x20, s25;
	s20 =	sadd.s32 s11, s9;
	s4 =	sadd.s32 s9, s4  }
0x11: {  	s15 =	sadd.s32 s9, s15;
	s23 =	sadd.s32 s9, s24;
	s21 =	sadd.s32 s9, s21  }
0x12: {  	s11 =	sshrl.u32 s26, $0x2;
	s8 =	sshrl.u32 s8, $0x2;
	s26 =	smul.u32 $0xA000, s17  }
0x13: {  	s24 =	sshrl.u32 s13, $0x2;
	s14 =	smul.u32 $0x50, s10;
	s18 =	sadd.s32 s9, s18  }
0x14: {  	s10 =	smul.u32 $0xA000, s10;
	s11 =	sadd.s32 s11, s5;
	s8 =	sadd.s32 s8, s5  }
0x15: {  	s20 =	sshll.u32 s20, $0x4;
	s4 =	sshll.u32 s4, $0x4;
	[dreg:$0x9] =	wrdreg s11  }
0x16: {  	s0 =	smax.u32 s0, $0x1;
	[dreg:$0x6] =	wrdreg s8;
	s8 =	smul.u32 $0xA000, s16  }
0x17: {  	s16 =	sadd.s32 s24, s5;
	s13 =	sshrl.u32 s26, $0x2;
	s26 =	smul.u32 $0xA000, s19  }
0x18: {  	s4 =	sadd.s32 s3, s4;
	[dreg:$0x1a] =	wrdreg s0;
	s0 =	simm.s32 $0x6  }
0x19: {  	s14 =	sadd.s32 s9, s14;
	s9 =	sadd.s32 s9, s22;
	s10 =	sshrl.u32 s10, $0x2  }
0x1a: {  	[dreg:$0x8] =	wrdreg s16;
	s22 =	sshrl.u32 s12, $0x2;
	s12 =	sadd.s32 s13, s5  }
0x1b: {  	[dreg:$0xe] =	wrdreg s4;
	s17 =	sadd.s32 s10, s5;
	s24 =	sshrl.u32 s8, $0x2  }
0x1c: {  	s19 =	sadd.s32 s22, s5;
	s16 =	sshrl.u32 s26, $0x2;
	[dreg:$0xc] =	wrdreg s12  }
0x1d: {  	s10 =	sadd.s32 s3, s20;
	s22 =	sshll.u32 s14, $0x4;
	[dreg:$0xa] =	wrdreg s19  }
0x1e: {  	s26 =	sshll.u32 s18, $0x4;
	[dreg:$0xd] =	wrdreg s10;
	s4 =	sadd.s32 s3, s22  }
0x1f: {  	s14 =	sshll.u32 s21, $0x4;
	s8 =	sadd.s32 s3, s26;
	[dreg:$0xf] =	wrdreg s4  }
0x20: {  	s9 =	sshll.u32 s9, $0x4;
	s13 =	smov.u32 s17;
	[dreg:$0x11] =	wrdreg s8  }
0x21: {  	s11 =	sadd.s32 s24, s5;
	s24 =	sshll.u32 s15, $0x4;
	[dreg:$0x7] =	wrdreg s13  }
0x22: {  	s10 =	sshll.u32 s23, $0x4;
	s4 =	sadd.s32 s3, s24;
	[dreg:$0xb] =	wrdreg s11  }
0x23: {  	s15 =	smul.u32 $0x4E00, s7;
	[dreg:$0x10] =	wrdreg s4;
	s4 =	sadd.s32 s3, s10  }
0x24: {  	s23 =	smul.u32 $0x4E, s7;
	s10 =	sadd.s32 s16, s5;
	[dreg:$0x12] =	wrdreg s4  }
0x25: {  	s17 =	sshll.u32 s7, $0x5;
	s4 =	sadd.s32 s3, s14;
	[dreg:$0x15] =	wrdreg s10  }
0x26: {  	s7 =	simm.s32 $0x3;
	s3 =	sadd.s32 s3, s9;
	[dreg:$0x13] =	wrdreg s4  }
0x27: {  	s24 =	sadd.s32 $0x10, s2;
	[dreg:$0x14] =	wrdreg s3;
	s3 =	sshrl.u32 s15, $0x3  }
0x28: {  	s4 =	sadd.s32 s17, s2;
	s18 =	sadd.s32 s2, s3;
	s3 =	sadd.s32 s3, s24  }
0x29: {  	s16 =	simm.s32 $0x13880;
	s19 =	sadd.s32 $0x13800, s4;
	[dreg:$0x17] =	wrdreg s3  }
0x2a: {  	s14 =	simm.s32 $0x1BC80;
	s20 =	sadd.s32 $0x13810, s4;
	[dreg:$0x18] =	wrdreg s19  }
0x2b: {  	s15 =	simm.s32 $0x8;
	s17 =	simm.s32 $0x13A00;
	[dreg:$0x19] =	wrdreg s20  }
0x2c: {  	s4 =	simm.s32 $0x7;
	s21 =	sadd.s32 $0x20, s18;
	[dreg:$0x16] =	wrdreg s18  }
0x2d: {  	s22 =	sadd.s32 $0x30, s18;
	s25 =	sadd.s32 $0x40, s18;
	[dreg:$0x1b] =	wrdreg s21  }
0x2e: {  	s26 =	sadd.s32 $0x50, s18;
	s18 =	simm.s32 $0x13900;
	[dreg:$0x1c] =	wrdreg s22  }
0x2f: {  	s19 =	simm.s32 $0x13A80;
	s20 =	simm.s32 $0x13980;
	[dreg:$0x1d] =	wrdreg s25  }
0x30: {  	s3 =	simm.s32 $0x1;
	[dreg:$0x1e] =	wrdreg s26;
	s21 =	simm.s32 $0x13B00  }
0x31: {  	s26 =	simm.s32 $0x4;
	s25 =	simm.s32 $0x2;
	s22 =	simm.s32 $0x0  }
.LBB2_1:
0x32: {  	[dreg:$0x1f] =	wrdreg s22  }
0x33: {  	s9 =	rddreg [dreg:$0x2]  }
0x34: {  	[tilespmem:s14], [sflag:$0x8] =	stream.linear.gather [hbm4b:s9+s6], $0x2800, $0x38;
	[tilespmem:$0x1FC80] =	vst v63  }
0x35: {  	_ =	swait.ge [sflag:s15], $0x2800  }
0x36: {  	[sflag:s15] =	ssyncset.done $0x0  }
0x37: {  	s8 =	rddreg [dreg:$0x9];
	[sflag:s15] =	ssyncadd.s32 $0xFFFFD800  }
0x38: {  	[spmem:s8] =	stream.linear.scatter [tilespmem:s14], [sflag:$0x7], $0x2800, $0x38;
	[tilespmem:$0x1FC80] =	vst v63  }
0x39: {  	s9 =	rddreg [dreg:$0x6]  }
0x3a: {  	[spmem:s9] =	stream.linear.scatter [tilespmem:s14], [sflag:$0x7], $0x2800, $0x38;
	[tilespmem:$0x1FC80] =	vst v63  }
0x3b: {  	_ = 	snop  }
0x3c: {  	[spmem:s13] =	stream.linear.scatter [tilespmem:s14], [sflag:$0x7], $0x2800, $0x38;
	[tilespmem:$0x1FC80] =	vst v63  }
0x3d: {  	s22 =	rddreg [dreg:$0x8]  }
0x3e: {  	[spmem:s22] =	stream.linear.scatter [tilespmem:s14], [sflag:$0x7], $0x2800, $0x38;
	[tilespmem:$0x1FC80] =	vst v63  }
0x3f: {  	s9 =	rddreg [dreg:$0xa]  }
0x40: {  	[spmem:s9] =	stream.linear.scatter [tilespmem:s14], [sflag:$0x7], $0x2800, $0x38;
	[tilespmem:$0x1FC80] =	vst v63  }
0x41: {  	_ = 	snop  }
0x42: {  	[spmem:s11] =	stream.linear.scatter [tilespmem:s14], [sflag:$0x7], $0x2800, $0x38;
	[tilespmem:$0x1FC80] =	vst v63  }
0x43: {  	_ = 	snop  }
0x44: {  	[spmem:s12] =	stream.linear.scatter [tilespmem:s14], [sflag:$0x7], $0x2800, $0x38;
	[tilespmem:$0x1FC80] =	vst v63  }
0x45: {  	s9 =	simm.s32 @!p0 $0x1BC80  }
0x46: {  	[spmem:s10] =	stream.linear.scatter @!p0 [tilespmem:s9], [sflag:$0x7], $0x2800, $0x38;
	[tilespmem:$0x1FC80] =	vst v63  }
0x47: {  	s12 =	rddreg [dreg:$0x16]  }
0x48: {  	[tilespmem:s16], [sflag:$0x4] =	stream.linear.gather [hbm4b:s12+s6], $0x80, $0x38;
	[tilespmem:$0x1FC80] =	vst v63  }
0x49: {  	s13 =	rddreg [dreg:$0x17]  }
0x4a: {  	[tilespmem:s17], [sflag:$0x4] =	stream.linear.gather [hbm4b:s13+s6], $0x80, $0x38;
	[tilespmem:$0x1FC80] =	vst v63  }
0x4b: {  	s22 =	rddreg [dreg:$0x1b]  }
0x4c: {  	[tilespmem:s18], [sflag:$0x5] =	stream.linear.gather [hbm4b:s22+s6], $0x80, $0x38;
	[tilespmem:$0x1FC80] =	vst v63  }
0x4d: {  	s9 =	rddreg [dreg:$0x1c]  }
0x4e: {  	[tilespmem:s19], [sflag:$0x5] =	stream.linear.gather [hbm4b:s9+s6], $0x80, $0x38;
	[tilespmem:$0x1FC80] =	vst v63  }
0x4f: {  	s10 =	rddreg [dreg:$0x1d]  }
0x50: {  	[tilespmem:s20], [sflag:$0x6] =	stream.linear.gather [hbm4b:s10+s6], $0x80, $0x38;
	[tilespmem:$0x1FC80] =	vst v63  }
0x51: {  	s11 =	rddreg [dreg:$0x1e]  }
0x52: {  	[tilespmem:s21], [sflag:$0x6] =	stream.linear.gather [hbm4b:s11+s6], $0x80, $0x38;
	[tilespmem:$0x1FC80] =	vst v63  }
0x53: {  	_ =	swait.ge [sflag:s26], $0x80  }
0x54: {  	[sflag:s26] =	ssyncset.done $0x0  }
0x55: {  	[sflag:s26] =	ssyncadd.s32 $0xFFFFFF80  }
0x56: {  	_ =	swait.ge [sflag:s26], $0x80  }
0x57: {  	[sflag:s26] =	ssyncset.done $0x0  }
0x58: {  	[sflag:s26] =	ssyncadd.s32 $0xFFFFFF80  }
0x59: {  	[tilespmem:s29], [sflag:$0x1] =	stream.indirect.gather [hbm4b:s1+s28], $0x80, s16, s28, $0xb8;
	[tilespmem:$0x1FC80] =	vst v63  }
0x5a: {  	_ =	swait.ge [sflag:s30], $0x80  }
0x5b: {  	[sflag:s30] =	ssyncset.done $0x0  }
0x5c: {  	[sflag:s30] =	ssyncadd.s32 $0xFFFFFF80  }
0x5d: {  	_ =	swait.ge [sflag:s30], $0x80  }
0x5e: {  	[sflag:s30] =	ssyncset.done $0x0  }
0x5f: {  	[sflag:s30] =	ssyncadd.s32 $0xFFFFFF80  }
0x60: {  	[tilespmem:s31], [sflag:$0x2] =	stream.indirect.gather [hbm4b:s1+s28], $0x80, s18, s28, $0xb8;
	[tilespmem:$0x1FC80] =	vst v63  }
0x61: {  	_ =	swait.ge [sflag:s4], $0x2800  }
0x62: {  	[sflag:s4] =	ssyncset.done $0x0  }
0x63: {  	[sflag:s4] =	ssyncadd.s32 $0xFFFFD800  }
0x64: {  	_ =	swait.ge [sflag:s4], $0x2800  }
0x65: {  	[sflag:s4] =	ssyncset.done $0x0  }
0x66: {  	[sflag:s4] =	ssyncadd.s32 $0xFFFFD800  }
0x67: {  	_ =	swait.ge [sflag:s4], $0x2800  }
0x68: {  	[sflag:s4] =	ssyncset.done $0x0  }
0x69: {  	[sflag:s4] =	ssyncadd.s32 $0xFFFFD800  }
0x6a: {  	_ =	swait.ge [sflag:s4], $0x2800  }
0x6b: {  	[sflag:s4] =	ssyncset.done $0x0  }
0x6c: {  	[sflag:s4] =	ssyncadd.s32 $0xFFFFD800  }
0x6d: {  	_ =	swait.ge [sflag:s4], $0x2800  }
0x6e: {  	[sflag:s4] =	ssyncset.done $0x0  }
0x6f: {  	[sflag:s4] =	ssyncadd.s32 $0xFFFFD800  }
0x70: {  	_ =	swait.ge [sflag:s4], $0x2800  }
0x71: {  	[sflag:s4] =	ssyncset.done $0x0  }
0x72: {  	[sflag:s4] =	ssyncadd.s32 $0xFFFFD800  }
0x73: {  	_ =	swait.ge [sflag:s4], $0x2800  }
0x74: {  	[sflag:s4] =	ssyncset.done $0x0  }
0x75: {  	s9 =	simm.s32 @!p0 $0x7;
	[sflag:s4] =	ssyncadd.s32 $0xFFFFD800  }
0x76: {  	_ =	swait.ge @!p0 [sflag:s9], $0x2800  }
0x77: {  	[sflag:s9] =	ssyncset.done @!p0 $0x0  }
0x78: {  	[sflag:s9] =	ssyncadd.s32 @!p0 $0xFFFFD800  }
0x79: {  	[bflag:$0x0] =	sbarrier.arrive $0xFFFF  }
0x7a: {  	_ =	swait.ge [sflag:s3], $0x4000  }
0x7b: {  	p2 =	por $0x0, $0x0;
	s9 =	simm.s32 $0x3;
	[sflag:s3] =	ssyncset.done $0x0  }
0x7c: {  	s9 =	simm.s32 @p2 $0x0;
	[sflag:s3] =	ssyncadd.s32 $0xFFFFC000  }
0x7d: {  	[spmem:s5] =	stream.indirect.scatter.add.f32 [tilespmem:s29], [sflag:$0x8], $0x80, s17, s28, $0xb8;
	[tilespmem:$0x1FC80] =	vst v63  }
0x7e: {  	s9 =	sadd.s32 s23, s9;
	_ =	swait.ge [sflag:s15], $0x4000  }
0x7f: {  	s9 =	sshll.u32 s9, $0x5;
	[sflag:s15] =	ssyncset.done $0x0  }
0x80: {  	s12 =	sadd.s32 s2, s9;
	[sflag:s15] =	ssyncadd.s32 $0xFFFFC000  }
0x81: {  	[tilespmem:s16], [sflag:$0x4] =	stream.linear.gather [hbm4b:s12+s6], $0x80, $0x38;
	[tilespmem:$0x1FC80] =	vst v63  }
0x82: {  	s9 =	sadd.s32 s9, s24  }
0x83: {  	[tilespmem:s17], [sflag:$0x4] =	stream.linear.gather [hbm4b:s9+s6], $0x80, $0x38;
	[tilespmem:$0x1FC80] =	vst v63  }
0x84: {  	_ =	swait.ge [sflag:s0], $0x80  }
0x85: {  	[sflag:s0] =	ssyncset.done $0x0  }
0x86: {  	[sflag:s0] =	ssyncadd.s32 $0xFFFFFF80  }
0x87: {  	_ =	swait.ge [sflag:s0], $0x80  }
0x88: {  	[sflag:s0] =	ssyncset.done $0x0  }
0x89: {  	[sflag:s0] =	ssyncadd.s32 $0xFFFFFF80  }
0x8a: {  	[tilespmem:s14], [sflag:$0x3] =	stream.indirect.gather [hbm4b:s1+s28], $0x80, s20, s28, $0xb8;
	[tilespmem:$0x1FC80] =	vst v63  }
0x8b: {  	_ =	swait.ge [sflag:s25], $0x4000  }
0x8c: {  	s9 =	simm.s32 $0x4;
	[sflag:s25] =	ssyncset.done $0x0  }
0x8d: {  	s9 =	simm.s32 @p2 $0x1;
	[sflag:s25] =	ssyncadd.s32 $0xFFFFC000  }
0x8e: {  	[spmem:s5] =	stream.indirect.scatter.add.f32 [tilespmem:s31], [sflag:$0x8], $0x80, s19, s28, $0xb8;
	[tilespmem:$0x1FC80] =	vst v63  }
0x8f: {  	s9 =	sadd.s32 s23, s9;
	_ =	swait.ge [sflag:s15], $0x4000  }
0x90: {  	s9 =	sshll.u32 s9, $0x5;
	[sflag:s15] =	ssyncset.done $0x0  }
0x91: {  	s13 =	sadd.s32 s2, s9;
	[sflag:s15] =	ssyncadd.s32 $0xFFFFC000  }
0x92: {  	[tilespmem:s18], [sflag:$0x5] =	stream.linear.gather [hbm4b:s13+s6], $0x80, $0x38;
	[tilespmem:$0x1FC80] =	vst v63  }
0x93: {  	s9 =	sadd.s32 s9, s24  }
0x94: {  	[tilespmem:s19], [sflag:$0x5] =	stream.linear.gather [hbm4b:s9+s6], $0x80, $0x38;
	[tilespmem:$0x1FC80] =	vst v63  }
0x95: {  	_ =	swait.ge [sflag:s26], $0x80  }
0x96: {  	[sflag:s26] =	ssyncset.done $0x0  }
0x97: {  	[sflag:s26] =	ssyncadd.s32 $0xFFFFFF80  }
0x98: {  	_ =	swait.ge [sflag:s26], $0x80  }
0x99: {  	[sflag:s26] =	ssyncset.done $0x0  }
0x9a: {  	[sflag:s26] =	ssyncadd.s32 $0xFFFFFF80  }
0x9b: {  	[tilespmem:s29], [sflag:$0x1] =	stream.indirect.gather [hbm4b:s1+s28], $0x80, s16, s28, $0xb8;
	[tilespmem:$0x1FC80] =	vst v63  }
0x9c: {  	_ =	swait.ge [sflag:s7], $0x4000  }
0x9d: {  	s9 =	simm.s32 $0x5;
	[sflag:s7] =	ssyncset.done $0x0  }
0x9e: {  	s9 =	simm.s32 @p2 $0x2;
	[sflag:s7] =	ssyncadd.s32 $0xFFFFC000  }
0x9f: {  	[spmem:s5] =	stream.indirect.scatter.add.f32 [tilespmem:s14], [sflag:$0x8], $0x80, s21, s28, $0xb8;
	[tilespmem:$0x1FC80] =	vst v63  }
0xa0: {  	s9 =	sadd.s32 s23, s9;
	_ =	swait.ge [sflag:s15], $0x4000  }
0xa1: {  	s9 =	sshll.u32 s9, $0x5;
	[sflag:s15] =	ssyncset.done $0x0  }
0xa2: {  	s22 =	sadd.s32 s2, s9;
	[sflag:s15] =	ssyncadd.s32 $0xFFFFC000  }
0xa3: {  	[tilespmem:s20], [sflag:$0x6] =	stream.linear.gather [hbm4b:s22+s6], $0x80, $0x38;
	[tilespmem:$0x1FC80] =	vst v63  }
0xa4: {  	s9 =	sadd.s32 s9, s24  }
0xa5: {  	[tilespmem:s21], [sflag:$0x6] =	stream.linear.gather [hbm4b:s9+s6], $0x80, $0x38;
	[tilespmem:$0x1FC80] =	vst v63  }
0xa6: {  	s9 =	simm.s32 $0x8  }
.LBB2_2:
0xa7: {  	p2 =	sne.s32 s9, $0x50  }
0xa8: {  	_ =	swait.ge [sflag:s30], $0x80;
	s10 =	smov.u32 s9;
	s9 =	sadd.s32 $0x3, s9  }
0xa9: {  	[sflag:s30] =	ssyncset.done $0x0  }
0xaa: {  	[sflag:s30] =	ssyncadd.s32 $0xFFFFFF80  }
0xab: {  	s11 =	sadd.s32 $0xFFFFFFFF, s10;
	_ =	swait.ge [sflag:s30], $0x80  }
0xac: {  	s12 =	sadd.s32 $0xFFFFFFFE, s10;
	p3 =	seq.s32 s10, $0x50;
	[sflag:s30] =	ssyncset.done $0x0  }
0xad: {  	s11 =	simm.s32 @p3 $0x1;
	s10 =	simm.s32 @p3 $0x2;
	[sflag:s30] =	ssyncadd.s32 $0xFFFFFF80  }
0xae: {  	[tilespmem:s31], [sflag:$0x2] =	stream.indirect.gather [hbm4b:s1+s28], $0x80, s18, s28, $0xb8;
	[tilespmem:$0x1FC80] =	vst v63  }
0xaf: {  	s12 =	simm.s32 @p3 $0x0;
	s11 =	sadd.s32 s23, s11  }
0xb0: {  	s12 =	sadd.s32 s23, s12;
	_ =	swait.ge [sflag:s3], $0x4000  }
0xb1: {  	s12 =	sshll.u32 s12, $0x5;
	[sflag:s3] =	ssyncset.done $0x0  }
0xb2: {  	s10 =	sadd.s32 s23, s10;
	s13 =	sadd.s32 s2, s12;
	[sflag:s3] =	ssyncadd.s32 $0xFFFFC000  }
0xb3: {  	[spmem:s5] =	stream.indirect.scatter.add.f32 [tilespmem:s29], [sflag:$0x8], $0x80, s17, s28, $0xb8;
	[tilespmem:$0x1FC80] =	vst v63  }
0xb4: {  	s10 =	sshll.u32 s10, $0x5;
	s12 =	sadd.s32 s12, s24;
	_ =	swait.ge [sflag:s15], $0x4000  }
0xb5: {  	[sflag:s15] =	ssyncset.done $0x0  }
0xb6: {  	[sflag:s15] =	ssyncadd.s32 $0xFFFFC000  }
0xb7: {  	[tilespmem:s16], [sflag:$0x4] =	stream.linear.gather [hbm4b:s13+s6], $0x80, $0x38;
	[tilespmem:$0x1FC80] =	vst v63  }
0xb8: {  	_ = 	snop  }
0xb9: {  	[tilespmem:s17], [sflag:$0x4] =	stream.linear.gather [hbm4b:s12+s6], $0x80, $0x38;
	[tilespmem:$0x1FC80] =	vst v63  }
0xba: {  	_ =	swait.ge [sflag:s0], $0x80  }
0xbb: {  	[sflag:s0] =	ssyncset.done $0x0  }
0xbc: {  	[sflag:s0] =	ssyncadd.s32 $0xFFFFFF80  }
0xbd: {  	_ =	swait.ge [sflag:s0], $0x80  }
0xbe: {  	[sflag:s0] =	ssyncset.done $0x0  }
0xbf: {  	[sflag:s0] =	ssyncadd.s32 $0xFFFFFF80  }
0xc0: {  	[tilespmem:s14], [sflag:$0x3] =	stream.indirect.gather [hbm4b:s1+s28], $0x80, s20, s28, $0xb8;
	[tilespmem:$0x1FC80] =	vst v63  }
0xc1: {  	s11 =	sshll.u32 s11, $0x5;
	_ =	swait.ge [sflag:s25], $0x4000  }
0xc2: {  	s12 =	sadd.s32 s2, s11;
	[sflag:s25] =	ssyncset.done $0x0  }
0xc3: {  	s11 =	sadd.s32 s11, s24;
	[sflag:s25] =	ssyncadd.s32 $0xFFFFC000  }
0xc4: {  	[spmem:s5] =	stream.indirect.scatter.add.f32 [tilespmem:s31], [sflag:$0x8], $0x80, s19, s28, $0xb8;
	[tilespmem:$0x1FC80] =	vst v63  }
0xc5: {  	_ =	swait.ge [sflag:s15], $0x4000  }
0xc6: {  	[sflag:s15] =	ssyncset.done $0x0  }
0xc7: {  	[sflag:s15] =	ssyncadd.s32 $0xFFFFC000  }
0xc8: {  	[tilespmem:s18], [sflag:$0x5] =	stream.linear.gather [hbm4b:s12+s6], $0x80, $0x38;
	[tilespmem:$0x1FC80] =	vst v63  }
0xc9: {  	_ = 	snop  }
0xca: {  	[tilespmem:s19], [sflag:$0x5] =	stream.linear.gather [hbm4b:s11+s6], $0x80, $0x38;
	[tilespmem:$0x1FC80] =	vst v63  }
0xcb: {  	_ =	swait.ge [sflag:s26], $0x80  }
0xcc: {  	[sflag:s26] =	ssyncset.done $0x0  }
0xcd: {  	[sflag:s26] =	ssyncadd.s32 $0xFFFFFF80  }
0xce: {  	_ =	swait.ge [sflag:s26], $0x80  }
0xcf: {  	[sflag:s26] =	ssyncset.done $0x0  }
0xd0: {  	[sflag:s26] =	ssyncadd.s32 $0xFFFFFF80  }
0xd1: {  	[tilespmem:s29], [sflag:$0x1] =	stream.indirect.gather [hbm4b:s1+s28], $0x80, s16, s28, $0xb8;
	[tilespmem:$0x1FC80] =	vst v63  }
0xd2: {  	_ =	swait.ge [sflag:s7], $0x4000  }
0xd3: {  	[sflag:s7] =	ssyncset.done $0x0  }
0xd4: {  	s11 =	sadd.s32 s2, s10;
	[sflag:s7] =	ssyncadd.s32 $0xFFFFC000  }
0xd5: {  	[spmem:s5] =	stream.indirect.scatter.add.f32 [tilespmem:s14], [sflag:$0x8], $0x80, s21, s28, $0xb8;
	[tilespmem:$0x1FC80] =	vst v63  }
0xd6: {  	s10 =	sadd.s32 s10, s24;
	_ =	swait.ge [sflag:s15], $0x4000  }
.Ltmp0:
0xd7: {  	[sflag:s15] =	ssyncset.done $0x0;
	(pc) =	sbr.rel @p2 .LBB2_2-.Ltmp0, $4  }
0xd8: {  	[sflag:s15] =	ssyncadd.s32 $0xFFFFC000  }
0xd9: {  	[tilespmem:s20], [sflag:$0x6] =	stream.linear.gather [hbm4b:s11+s6], $0x80, $0x38;
	[tilespmem:$0x1FC80] =	vst v63  }
0xda: {  	_ = 	snop  }
0xdb: {  	[tilespmem:s21], [sflag:$0x6] =	stream.linear.gather [hbm4b:s10+s6], $0x80, $0x38;
	[tilespmem:$0x1FC80] =	vst v63  }
0xdc: {  	_ =	swait.ge [sflag:s30], $0x80  }
0xdd: {  	[sflag:s30] =	ssyncset.done $0x0  }
0xde: {  	[sflag:s30] =	ssyncadd.s32 $0xFFFFFF80  }
0xdf: {  	_ =	swait.ge [sflag:s30], $0x80  }
0xe0: {  	[sflag:s30] =	ssyncset.done $0x0  }
0xe1: {  	[sflag:s30] =	ssyncadd.s32 $0xFFFFFF80  }
0xe2: {  	[tilespmem:s31], [sflag:$0x2] =	stream.indirect.gather [hbm4b:s1+s28], $0x80, s18, s28, $0xb8;
	[tilespmem:$0x1FC80] =	vst v63  }
0xe3: {  	_ =	swait.ge [sflag:s3], $0x4000  }
0xe4: {  	[sflag:s3] =	ssyncset.done $0x0  }
0xe5: {  	[sflag:s3] =	ssyncadd.s32 $0xFFFFC000  }
0xe6: {  	_ =	swait.ge [sflag:s25], $0x4000  }
0xe7: {  	[sflag:s25] =	ssyncset.done $0x0  }
0xe8: {  	[sflag:s25] =	ssyncadd.s32 $0xFFFFC000  }
0xe9: {  	_ =	swait.ge [sflag:s0], $0x80  }
0xea: {  	[sflag:s0] =	ssyncset.done $0x0  }
0xeb: {  	[sflag:s0] =	ssyncadd.s32 $0xFFFFFF80  }
0xec: {  	_ =	swait.ge [sflag:s0], $0x80  }
0xed: {  	s9 =	simm.s32 @!p1 $0x0;
	s10 =	simm.s32 @!p1 $0x13880;
	[sflag:s0] =	ssyncset.done $0x0  }
0xee: {  	s11 =	simm.s32 @!p1 $0x8;
	s8 =	rddreg [dreg:$0x18];
	[sflag:s0] =	ssyncadd.s32 $0xFFFFFF80  }
0xef: {  	[tilespmem:s10], [sflag:$0x8] =	stream.linear.gather @!p1 [hbm4b:s8+s9], $0x80, $0x38;
	[tilespmem:$0x1FC80] =	vst v63  }
0xf0: {  	_ =	swait.ge @!p1 [sflag:s11], $0x80  }
0xf1: {  	[sflag:s11] =	ssyncset.done @!p1 $0x0  }
0xf2: {  	s12 =	simm.s32 @!p1 $0x13A00;
	s8 =	rddreg [dreg:$0x19];
	[sflag:s11] =	ssyncadd.s32 @!p1 $0xFFFFFF80  }
0xf3: {  	[tilespmem:s12], [sflag:$0x8] =	stream.linear.gather @!p1 [hbm4b:s8+s9], $0x80, $0x38;
	[tilespmem:$0x1FC80] =	vst v63  }
0xf4: {  	_ =	swait.ge @!p1 [sflag:s11], $0x80  }
0xf5: {  	[sflag:s11] =	ssyncset.done @!p1 $0x0  }
0xf6: {  	s13 =	simm.s32 @!p1 $0x13C80;
	s9 =	simm.s32 @!p1 $0x80;
	[sflag:s11] =	ssyncadd.s32 @!p1 $0xFFFFFF80  }
0xf7: {  	[tilespmem:s13], [sflag:$0x1] =	stream.indirect.gather @!p1 [hbm4b:s1+s9], $0x80, s10, s9, $0xb8;
	[tilespmem:$0x1FC80] =	vst v63  }
0xf8: {  	s10 =	simm.s32 @!p1 $0x1  }
0xf9: {  	_ =	swait.ge @!p1 [sflag:s10], $0x4000  }
0xfa: {  	[sflag:s10] =	ssyncset.done @!p1 $0x0  }
0xfb: {  	[sflag:s10] =	ssyncadd.s32 @!p1 $0xFFFFC000  }
0xfc: {  	[spmem:s5] =	stream.indirect.scatter.add.f32 @!p1 [tilespmem:s13], [sflag:$0x8], $0x80, s12, s9, $0xb8;
	[tilespmem:$0x1FC80] =	vst v63  }
0xfd: {  	_ =	swait.ge @!p1 [sflag:s11], $0x4000  }
0xfe: {  	[sflag:s11] =	ssyncset.done @!p1 $0x0  }
0xff: {  	[sflag:s11] =	ssyncadd.s32 @!p1 $0xFFFFC000  }
0x100: {  	s13 =	stileid.u32;
	[bflag:$0x0] =	sbarrier.arrive $0xFFFF  }
0x101: {  	s9 =	sshll.u32 s13, $0x6;
	s22 =	rddreg [dreg:$0x9]  }
0x102: {  	s9 =	sor.u32 $0x1C07, s9;
	s11 =	rddreg [dreg:$0xd];
	s8 =	sshrl.u32 s22, $0x3  }
0x103: {  	[hbm:s11], [sflag:s9] =	dma.local [spmem:s8], $0x500  }
0x104: {  	s8 =	rddreg [dreg:$0x6]  }
0x105: {  	s13 =	rddreg [dreg:$0xe];
	s12 =	sshrl.u32 s8, $0x3  }
0x106: {  	[hbm:s13], [sflag:s9] =	dma.local [spmem:s12], $0x500  }
0x107: {  	s13 =	rddreg [dreg:$0x7]  }
0x108: {  	s8 =	rddreg [dreg:$0xf];
	s22 =	sshrl.u32 s13, $0x3  }
0x109: {  	[hbm:s8], [sflag:s9] =	dma.local [spmem:s22], $0x500  }
0x10a: {  	s8 =	rddreg [dreg:$0x8]  }
0x10b: {  	s12 =	rddreg [dreg:$0x10];
	s11 =	sshrl.u32 s8, $0x3  }
0x10c: {  	[hbm:s12], [sflag:s9] =	dma.local [spmem:s11], $0x500  }
0x10d: {  	s8 =	rddreg [dreg:$0xa]  }
0x10e: {  	s22 =	sshrl.u32 s8, $0x3;
	s8 =	rddreg [dreg:$0x11]  }
0x10f: {  	[hbm:s8], [sflag:s9] =	dma.local [spmem:s22], $0x500  }
0x110: {  	s11 =	rddreg [dreg:$0xb]  }
0x111: {  	s22 =	rddreg [dreg:$0x12];
	s12 =	sshrl.u32 s11, $0x3  }
0x112: {  	[hbm:s22], [sflag:s9] =	dma.local [spmem:s12], $0x500  }
0x113: {  	s12 =	rddreg [dreg:$0xc]  }
0x114: {  	s22 =	rddreg [dreg:$0x13];
	s8 =	sshrl.u32 s12, $0x3  }
0x115: {  	[hbm:s22], [sflag:s9] =	dma.local [spmem:s8], $0x500  }
0x116: {  	s8 =	rddreg [dreg:$0x15]  }
0x117: {  	s22 =	rddreg [dreg:$0x14];
	s10 =	sshrl.u32 @!p0 s8, $0x3  }
0x118: {  	[hbm:s22], [sflag:s9] =	dma.local @!p0 [spmem:s10], $0x500  }
0x119: {  	_ =	swait.ge [sflag:s4], $0x500  }
0x11a: {  	[sflag:s4] =	ssyncset.done $0x0  }
0x11b: {  	[sflag:s4] =	ssyncadd.s32 $0xFFFFFB00  }
0x11c: {  	_ =	swait.ge [sflag:s4], $0x500  }
0x11d: {  	[sflag:s4] =	ssyncset.done $0x0  }
0x11e: {  	[sflag:s4] =	ssyncadd.s32 $0xFFFFFB00  }
0x11f: {  	_ =	swait.ge [sflag:s4], $0x500  }
0x120: {  	[sflag:s4] =	ssyncset.done $0x0  }
0x121: {  	[sflag:s4] =	ssyncadd.s32 $0xFFFFFB00  }
0x122: {  	_ =	swait.ge [sflag:s4], $0x500  }
0x123: {  	[sflag:s4] =	ssyncset.done $0x0  }
0x124: {  	[sflag:s4] =	ssyncadd.s32 $0xFFFFFB00  }
0x125: {  	_ =	swait.ge [sflag:s4], $0x500  }
0x126: {  	[sflag:s4] =	ssyncset.done $0x0  }
0x127: {  	[sflag:s4] =	ssyncadd.s32 $0xFFFFFB00  }
0x128: {  	_ =	swait.ge [sflag:s4], $0x500  }
0x129: {  	[sflag:s4] =	ssyncset.done $0x0  }
0x12a: {  	[sflag:s4] =	ssyncadd.s32 $0xFFFFFB00  }
0x12b: {  	_ =	swait.ge [sflag:s4], $0x500  }
0x12c: {  	[sflag:s4] =	ssyncset.done $0x0  }
0x12d: {  	s9 =	simm.s32 @!p0 $0x7;
	[sflag:s4] =	ssyncadd.s32 $0xFFFFFB00  }
0x12e: {  	_ =	swait.ge @!p0 [sflag:s9], $0x500  }
0x12f: {  	s10 =	smov.u32 s8;
	s8 =	rddreg [dreg:$0x1f]  }
0x130: {  	s22 =	sadd.s32 $0x1, s8;
	s8 =	rddreg [dreg:$0x1a]  }
0x131: {  	p2 =	sne.s32 s22, s8  }
.Ltmp1:
0x132: {  	_ = 	snop;
	(pc) =	sbr.rel @p2 .LBB2_1-.Ltmp1, $3  }
0x133: {  	_ =	sdelay $0x1  }
0x134: {  	[sflag:s9] =	ssyncset.done @!p0 $0x0  }
0x135: {  	[sflag:s9] =	ssyncadd.s32 @!p0 $0xFFFFFB00  }
0x136: {  	_ =	sfence.sel $0x180000  }
0x137: {  	[bflag:$0x0] =	sbarrier.arrive $0xFFFF  }
0x138: {  	_ =	strace $0x90000047  }
0x139: {  	s0 =	stileid.u32;
	[bflag:$0x2] =	sbarrier.arrive $0xFFFF  }
0x13a: {  	p0 =	sne.s32 s0, $0x0;
	s0 =	rddreg [dreg:$0x5]  }
0x13b: {  	s0 =	sadd.s32 @!p0 $0x100000, s0  }
0x13c: {  	[sflag:s0] =	ssyncadd.tile.s32 @!p0 $0x1;
	_ =	shalt  }
.Lfunc_end2:
_tile_overlayer_lowered:
.L_overlay_start_2:
0x13d: {  	(tag) =	ssettag $0x2  }
0x13e: {  	s0 =	rddreg [dreg:$0x0];
	s2 =	stileid.u32  }
0x13f: {  	s1 =	rddreg [dreg:$0x1];
	p0 =	sne.s32 s2, $0x0  }
0x140: {  	s3 =	rddreg [dreg:$0x2];
	[bflag:$0x3] =	sbarrier.arrive $0xFFFF;
	s2 =	simm.s32 @!p0 $0x1C08  }
0x141: {  	[timem:s3], [sflag:s2] =	dma.local @!p0 [hbm:s0], s1  }
0x142: {  	s0 =	simm.s32 @!p0 $0x8  }
0x143: {  	_ =	swait.ge @!p0 [sflag:s0], s1  }
0x144: {  	s1 =	ssub.s32 @!p0 $0x0, s1;
	[sflag:s0] =	ssyncset.done @!p0 $0x0  }
0x145: {  	[sflag:s0] =	ssyncadd.s32 @!p0 s1  }
0x146: {  	[bflag:$0x3] =	sbarrier.arrive $0xFFFF  }
0x147: {  	_ =	shalt  }

</sc_bundles>
